<compile_context>
chip_gen: v7x
topology: tpu7x:2x2x1
jax: 0.10.2.dev20260603
libtpu: 0.0.44.dev20260713+nightly
codegen_flags: <defaults>
</compile_context>

<pallas_src>
import functools

import jax
import jax.numpy as jnp
from jax import lax
from jax.experimental import pallas as pl
from jax.experimental.pallas import tpu as pltpu
from jax.experimental.pallas import tpu_sc as plsc

_N = 64 * 1024
_D = 64
_K = 512
_T = 1024
_G = _N // _T
_BETA = 0.25
_LOSS_SCALE = (1.0 + _BETA) / (_N * _D)

_NC, _NS = 2, 16
_NW = _NC * _NS
_TOK_PER_W = _N // _NW
_CH = 128
_NCHUNK = _TOK_PER_W // _CH
_SUPER = 4


def _vq_tc_body(z_ref, wm2_ref, idx_ref, loss_ref):
    ztb = z_ref[0]
    wm2 = wm2_ref[...]
    scores = lax.dot_general(wm2, ztb, (((1,), (0,)), ((), ())),
                             preferred_element_type=jnp.float32)
    wsq = jnp.sum(wm2 * wm2, axis=1, keepdims=True) * 0.25
    zsq = jnp.sum(ztb * ztb, axis=0, keepdims=True)
    dist = (zsq + scores) + wsq
    minval = jnp.min(dist, axis=0, keepdims=True)
    code = lax.broadcasted_iota(jnp.int32, dist.shape, 0)
    idx = jnp.min(jnp.where(dist == minval, code, _K), axis=0,
                  keepdims=True)
    step = pl.program_id(0)
    idx_ref[pl.ds(step % 8, 1), :] = idx
    prev = loss_ref[...]
    acc = jnp.where(step == 0, jnp.zeros_like(prev), prev) + jnp.sum(minval)
    loss_ref[...] = jnp.where(step == pl.num_programs(0) - 1,
                              acc * _LOSS_SCALE, acc)


_vq_tc = pl.pallas_call(
    _vq_tc_body,
    grid=(_G,),
    in_specs=[
        pl.BlockSpec((1, _D, _T), lambda i: (i, 0, 0)),
        pl.BlockSpec((_K, _D), lambda i: (0, 0)),
    ],
    out_specs=[
        pl.BlockSpec((8, _T), lambda i: (i // 8, 0)),
        pl.BlockSpec((1, 1), lambda i: (0, 0)),
    ],
    out_shape=[
        jax.ShapeDtypeStruct((_N // _T, _T), jnp.int32),
        jax.ShapeDtypeStruct((1, 1), jnp.float32),
    ],
)


def _sc_gather_body(idx_hbm, w_hbm, out_hbm, idx_v, w_sp, rows_v,
                    gsem, wsem):
    wid = lax.axis_index("s") * _NC + lax.axis_index("c")
    sid = lax.axis_index("s")

    @pl.when(sid == 0)
    def _():
        pltpu.sync_copy(w_hbm, w_sp)
    plsc.subcore_barrier()
    pltpu.sync_copy(idx_hbm.at[pl.ds(wid * _TOK_PER_W, _TOK_PER_W)], idx_v)

    wh = [None, None]
    for g in range(_NCHUNK):
        b = g % 2
        if wh[b] is not None:
            wh[b].wait()
        pltpu.async_copy(w_sp.at[idx_v.at[pl.ds(g * _CH, _CH)]],
                         rows_v.at[b], gsem).wait()
        wh[b] = pltpu.async_copy(
            rows_v.at[b],
            out_hbm.at[pl.ds(wid * _TOK_PER_W + g * _CH, _CH)],
            wsem.at[b])
    for b in range(2):
        if wh[b] is not None:
            wh[b].wait()


@functools.cache
def _sc_gather():
    return pl.kernel(
        _sc_gather_body,
        mesh=plsc.VectorSubcoreMesh(core_axis_name="c", subcore_axis_name="s"),
        out_type=jax.ShapeDtypeStruct((_N, _D), jnp.float32),
        compiler_params=pltpu.CompilerParams(use_tc_tiling_on_sc=False),
        scratch_types=[
            pltpu.VMEM((_TOK_PER_W,), jnp.int32),
            pltpu.VMEM_SHARED((_K, _D), jnp.float32),
            pltpu.VMEM((2, _CH, _D), jnp.float32),
            pltpu.SemaphoreType.DMA,
            pltpu.SemaphoreType.DMA((2,)),
        ],
    )


def kernel(z, W):
    zt = z.transpose(0, 2, 1)
    w_m2 = W * (-2.0)
    idx_rows, loss_arr = _vq_tc(zt, w_m2)
    z_q = _sc_gather()(idx_rows.reshape(-1), W)
    return (z_q.reshape(z.shape), loss_arr[0, 0],
            idx_rows.reshape(z.shape[0], z.shape[1]))

# --- scband reference (transcript-rebuilt; emitter-appended) ---
"""Pipeline reference for scband-vector-quantizer-3478923510114 (READ-ONLY COPY).

The authoritative reference and input builder live on the scoring server;
editing this copy changes nothing except your own understanding.
"""

import jax, jax.numpy as jnp
import numpy as np

NUM_EMBEDDINGS = 512
EMBEDDING_DIM = 64
BETA = 0.25
B, HW = 64, 1024


def setup_inputs(seed: int = 0) -> dict:
    key = jax.random.key(seed)
    k1, k2 = jax.random.split(key)
    z = jax.random.normal(k1, (B, HW, EMBEDDING_DIM), dtype=jnp.float32)
    W = jax.random.uniform(k2, (NUM_EMBEDDINGS, EMBEDDING_DIM), dtype=jnp.float32,
                           minval=-1.0 / NUM_EMBEDDINGS, maxval=1.0 / NUM_EMBEDDINGS)
    return {"z": z, "W": W}


def reference(z, W):
    beta = BETA
    d = W.shape[1]
    flat_z = z.reshape(-1, d)
    dist = (jnp.sum(flat_z ** 2, axis=1, keepdims=True)
            - 2.0 * jnp.matmul(flat_z, W.T)
            + jnp.sum(W ** 2, axis=1))
    indices = jnp.argmin(dist, axis=1)
    z_q = jnp.take(W, indices, axis=0).reshape(z.shape)
    loss = (jnp.mean((jax.lax.stop_gradient(z_q) - z) ** 2)
            + beta * jnp.mean((z_q - jax.lax.stop_gradient(z)) ** 2))
    z_q_st = z + jax.lax.stop_gradient(z_q - z)
    return z_q_st, loss, indices.reshape(z.shape[0], z.shape[1])

if __name__ == "__main__":
    import jax
    _d = setup_inputs()
    print(jax.jit(kernel)(*tuple(_d.values())))

</pallas_src>

<mosaic_0001>
#map = affine_map<(d0, d1) -> (0)>
#map1 = affine_map<(d0, d1) -> (0, 0)>
module attributes {stable_mosaic.version = 14 : i64} {
  func.func @_sc_gather_body(%arg0: i32, %arg1: i32, %arg2: memref<65536xi32, #tpu.memory_space<hbm>>, %arg3: memref<512x64xf32, #tpu.memory_space<hbm>>, %arg4: memref<65536x64xf32, #tpu.memory_space<hbm>>, %arg5: memref<2048xi32, #tpu.memory_space<vmem>>, %arg6: memref<512x64xf32, #tpu.memory_space<vmem_shared>>, %arg7: memref<2x128x64xf32, #tpu.memory_space<vmem>>, %arg8: memref<!tpu.dma_semaphore, #tpu.memory_space<semaphore_mem>>, %arg9: memref<2x!tpu.dma_semaphore, #tpu.memory_space<semaphore_mem>>) attributes {dimension_semantics = [#tpu.dimension_semantics<core_parallel>, #tpu.dimension_semantics<subcore_parallel>], iteration_bounds = array<i64: 2, 16>, scalar_prefetch = 0 : i64, scratch_operands = 5 : i64, tpu.core_type = #tpu.core_type<sc_vector_subcore>, window_params = [{transform_indices = #map}, {transform_indices = #map1}, {transform_indices = #map1}]} {
    %mul3A = arith.constant 2 : i32
    %mul3A_0 = arith.muli %arg1, %mul3A : i32
    %add3A = arith.addi %mul3A_0, %arg0 : i32
    %eq3A = arith.constant 0 : i32
    %eq3A_1 = arith.cmpi eq, %arg1, %eq3A : i32
    %convert_element_type3A = arith.extui %eq3A_1 : i1 to i32
    %cond3A = arith.constant 0 : i32
    %cond3A_2 = arith.cmpi ne, %convert_element_type3A, %cond3A : i32
    scf.if %cond3A_2 {
      "tpu.region"() ({
        %run_scoped3A = tpu.sem_alloc : memref<!tpu.dma_semaphore, #tpu.memory_space<semaphore_mem>>
        tpu.enqueue_dma source(%arg3 : memref<512x64xf32, #tpu.memory_space<hbm>>) target(%arg6 : memref<512x64xf32, #tpu.memory_space<vmem_shared>>) target_semaphore(%run_scoped3A : memref<!tpu.dma_semaphore, #tpu.memory_space<semaphore_mem>>)
        tpu.wait_dma2 semaphore(%run_scoped3A : memref<!tpu.dma_semaphore, #tpu.memory_space<semaphore_mem>>) src(%arg3 : memref<512x64xf32, #tpu.memory_space<hbm>>) dst(%arg6 : memref<512x64xf32, #tpu.memory_space<vmem_shared>>)
        tpu.yield
      }) : () -> ()
    } else {
    }
    %barrier3A = arith.constant 0 : index
    tpu.barrier barrier_id(%barrier3A)
    %mul3A_3 = arith.constant 2048 : i32
    %mul3A_4 = arith.muli %add3A, %mul3A_3 : i32
    "tpu.region"() ({
      %run_scoped3A = tpu.sem_alloc : memref<!tpu.dma_semaphore, #tpu.memory_space<semaphore_mem>>
      %dma_start3A_899 = tpu.memref_slice %arg2[%mul3A_4] : memref<65536xi32, #tpu.memory_space<hbm>> -> memref<2048xi32, #tpu.memory_space<hbm>>
      %dma_start3A_900 = tpu.memref_slice %arg2[%mul3A_4] : memref<65536xi32, #tpu.memory_space<hbm>> -> memref<2048xi32, #tpu.memory_space<hbm>>
      tpu.enqueue_dma source(%dma_start3A_900 : memref<2048xi32, #tpu.memory_space<hbm>>) target(%arg5 : memref<2048xi32, #tpu.memory_space<vmem>>) target_semaphore(%run_scoped3A : memref<!tpu.dma_semaphore, #tpu.memory_space<semaphore_mem>>)
      %dma_wait3A_901 = tpu.memref_slice %arg2[%mul3A_4] : memref<65536xi32, #tpu.memory_space<hbm>> -> memref<2048xi32, #tpu.memory_space<hbm>>
      %dma_wait3A_902 = tpu.memref_slice %arg2[%mul3A_4] : memref<65536xi32, #tpu.memory_space<hbm>> -> memref<2048xi32, #tpu.memory_space<hbm>>
      tpu.wait_dma2 semaphore(%run_scoped3A : memref<!tpu.dma_semaphore, #tpu.memory_space<semaphore_mem>>) src(%dma_wait3A_902 : memref<2048xi32, #tpu.memory_space<hbm>>) dst(%arg5 : memref<2048xi32, #tpu.memory_space<vmem>>)
      tpu.yield
    }) : () -> ()
    %dma_start3A = arith.constant 0 : i32
    %dma_start3A_5 = arith.constant 0 : i32
    %dma_start3A_6 = arith.constant 0 : i32
    %dma_start3A_7 = tpu.memref_slice %arg7[%dma_start3A, %dma_start3A_5, %dma_start3A_6] : memref<2x128x64xf32, #tpu.memory_space<vmem>> -> memref<1x128x64xf32, #tpu.memory_space<vmem>>
    %dma_start3A_8 = tpu.memref_squeeze %dma_start3A_7 : memref<1x128x64xf32, #tpu.memory_space<vmem>> -> memref<128x64xf32, #tpu.memory_space<vmem>>
    %dma_start3A_9 = arith.constant 0 : i32
    %dma_start3A_10 = tpu.memref_slice %arg5[%dma_start3A_9] : memref<2048xi32, #tpu.memory_space<vmem>> -> memref<128xi32, #tpu.memory_space<vmem>>
    %dma_start3A_11 = arith.constant 0 : i32
    %dma_start3A_12 = arith.constant 0 : i32
    %dma_start3A_13 = tpu.memref_slice %arg6[%dma_start3A_11, %dma_start3A_12] : memref<512x64xf32, #tpu.memory_space<vmem_shared>> -> memref<512x64xf32, #tpu.memory_space<vmem_shared>>
    tpu.enqueue_indirect_dma source(%dma_start3A_13 : memref<512x64xf32, #tpu.memory_space<vmem_shared>>) target(%dma_start3A_8 : memref<128x64xf32, #tpu.memory_space<vmem>>) offsets(%dma_start3A_10 : memref<128xi32, #tpu.memory_space<vmem>>) semaphore(%arg8 : memref<!tpu.dma_semaphore, #tpu.memory_space<semaphore_mem>>)
    %dma_wait3A = arith.constant 0 : i32
    %dma_wait3A_14 = arith.constant 0 : i32
    %dma_wait3A_15 = arith.constant 0 : i32
    %dma_wait3A_16 = tpu.memref_slice %arg7[%dma_wait3A, %dma_wait3A_14, %dma_wait3A_15] : memref<2x128x64xf32, #tpu.memory_space<vmem>> -> memref<1x128x64xf32, #tpu.memory_space<vmem>>
    %dma_wait3A_17 = tpu.memref_squeeze %dma_wait3A_16 : memref<1x128x64xf32, #tpu.memory_space<vmem>> -> memref<128x64xf32, #tpu.memory_space<vmem>>
    %dma_wait3A_18 = arith.constant 0 : i32
    %dma_wait3A_19 = tpu.memref_slice %arg5[%dma_wait3A_18] : memref<2048xi32, #tpu.memory_space<vmem>> -> memref<128xi32, #tpu.memory_space<vmem>>
    %dma_wait3A_20 = arith.constant 0 : i32
    %dma_wait3A_21 = arith.constant 0 : i32
    %dma_wait3A_22 = tpu.memref_slice %arg6[%dma_wait3A_20, %dma_wait3A_21] : memref<512x64xf32, #tpu.memory_space<vmem_shared>> -> memref<512x64xf32, #tpu.memory_space<vmem_shared>>
    tpu.wait_indirect_dma semaphore(%arg8 : memref<!tpu.dma_semaphore, #tpu.memory_space<semaphore_mem>>) src(%dma_wait3A_22 : memref<512x64xf32, #tpu.memory_space<vmem_shared>>) dst(%dma_wait3A_17 : memref<128x64xf32, #tpu.memory_space<vmem>>)
    %mul3A_23 = arith.constant 2048 : i32
    %mul3A_24 = arith.muli %add3A, %mul3A_23 : i32
    %add3A_25 = arith.constant 0 : i32
    %add3A_26 = arith.addi %mul3A_24, %add3A_25 : i32
    %dma_start3A_27 = arith.constant 0 : i32
    %dma_start3A_28 = arith.constant 0 : i32
    %dma_start3A_29 = arith.constant 0 : i32
    %dma_start3A_30 = arith.constant 0 : i32
    %dma_start3A_31 = tpu.memref_slice %arg7[%dma_start3A_27, %dma_start3A_29, %dma_start3A_30] : memref<2x128x64xf32, #tpu.memory_space<vmem>> -> memref<1x128x64xf32, #tpu.memory_space<vmem>>
    %dma_start3A_32 = tpu.memref_squeeze %dma_start3A_31 : memref<1x128x64xf32, #tpu.memory_space<vmem>> -> memref<128x64xf32, #tpu.memory_space<vmem>>
    %dma_start3A_33 = arith.constant 0 : i32
    %dma_start3A_34 = tpu.memref_slice %arg4[%add3A_26, %dma_start3A_33] : memref<65536x64xf32, #tpu.memory_space<hbm>> -> memref<128x64xf32, #tpu.memory_space<hbm>>
    %dma_start3A_35 = tpu.memref_slice %arg9[%dma_start3A_28] : memref<2x!tpu.dma_semaphore, #tpu.memory_space<semaphore_mem>> -> memref<1x!tpu.dma_semaphore, #tpu.memory_space<semaphore_mem>>
    %dma_start3A_36 = tpu.memref_squeeze %dma_start3A_35 : memref<1x!tpu.dma_semaphore, #tpu.memory_space<semaphore_mem>> -> memref<!tpu.dma_semaphore, #tpu.memory_space<semaphore_mem>>
    %dma_start3A_37 = arith.constant 0 : i32
    %dma_start3A_38 = tpu.memref_slice %arg4[%add3A_26, %dma_start3A_37] : memref<65536x64xf32, #tpu.memory_space<hbm>> -> memref<128x64xf32, #tpu.memory_space<hbm>>
    %dma_start3A_39 = arith.constant 0 : i32
    %dma_start3A_40 = arith.constant 0 : i32
    %dma_start3A_41 = tpu.memref_slice %arg7[%dma_start3A_27, %dma_start3A_39, %dma_start3A_40] : memref<2x128x64xf32, #tpu.memory_space<vmem>> -> memref<1x128x64xf32, #tpu.memory_space<vmem>>
    %dma_start3A_42 = tpu.memref_squeeze %dma_start3A_41 : memref<1x128x64xf32, #tpu.memory_space<vmem>> -> memref<128x64xf32, #tpu.memory_space<vmem>>
    tpu.enqueue_dma source(%dma_start3A_42 : memref<128x64xf32, #tpu.memory_space<vmem>>) target(%dma_start3A_38 : memref<128x64xf32, #tpu.memory_space<hbm>>) target_semaphore(%dma_start3A_36 : memref<!tpu.dma_semaphore, #tpu.memory_space<semaphore_mem>>)
    %dma_start3A_43 = arith.constant 1 : i32
    %dma_start3A_44 = arith.constant 0 : i32
    %dma_start3A_45 = arith.constant 0 : i32
    %dma_start3A_46 = tpu.memref_slice %arg7[%dma_start3A_43, %dma_start3A_44, %dma_start3A_45] : memref<2x128x64xf32, #tpu.memory_space<vmem>> -> memref<1x128x64xf32, #tpu.memory_space<vmem>>
    %dma_start3A_47 = tpu.memref_squeeze %dma_start3A_46 : memref<1x128x64xf32, #tpu.memory_space<vmem>> -> memref<128x64xf32, #tpu.memory_space<vmem>>
    %dma_start3A_48 = arith.constant 128 : i32
    %dma_start3A_49 = tpu.memref_slice %arg5[%dma_start3A_48] : memref<2048xi32, #tpu.memory_space<vmem>> -> memref<128xi32, #tpu.memory_space<vmem>>
    %dma_start3A_50 = arith.constant 0 : i32
    %dma_start3A_51 = arith.constant 0 : i32
    %dma_start3A_52 = tpu.memref_slice %arg6[%dma_start3A_50, %dma_start3A_51] : memref<512x64xf32, #tpu.memory_space<vmem_shared>> -> memref<512x64xf32, #tpu.memory_space<vmem_shared>>
    tpu.enqueue_indirect_dma source(%dma_start3A_52 : memref<512x64xf32, #tpu.memory_space<vmem_shared>>) target(%dma_start3A_47 : memref<128x64xf32, #tpu.memory_space<vmem>>) offsets(%dma_start3A_49 : memref<128xi32, #tpu.memory_space<vmem>>) semaphore(%arg8 : memref<!tpu.dma_semaphore, #tpu.memory_space<semaphore_mem>>)
    %dma_wait3A_53 = arith.constant 1 : i32
    %dma_wait3A_54 = arith.constant 0 : i32
    %dma_wait3A_55 = arith.constant 0 : i32
    %dma_wait3A_56 = tpu.memref_slice %arg7[%dma_wait3A_53, %dma_wait3A_54, %dma_wait3A_55] : memref<2x128x64xf32, #tpu.memory_space<vmem>> -> memref<1x128x64xf32, #tpu.memory_space<vmem>>
    %dma_wait3A_57 = tpu.memref_squeeze %dma_wait3A_56 : memref<1x128x64xf32, #tpu.memory_space<vmem>> -> memref<128x64xf32, #tpu.memory_space<vmem>>
    %dma_wait3A_58 = arith.constant 128 : i32
    %dma_wait3A_59 = tpu.memref_slice %arg5[%dma_wait3A_58] : memref<2048xi32, #tpu.memory_space<vmem>> -> memref<128xi32, #tpu.memory_space<vmem>>
    %dma_wait3A_60 = arith.constant 0 : i32
    %dma_wait3A_61 = arith.constant 0 : i32
    %dma_wait3A_62 = tpu.memref_slice %arg6[%dma_wait3A_60, %dma_wait3A_61] : memref<512x64xf32, #tpu.memory_space<vmem_shared>> -> memref<512x64xf32, #tpu.memory_space<vmem_shared>>
    tpu.wait_indirect_dma semaphore(%arg8 : memref<!tpu.dma_semaphore, #tpu.memory_space<semaphore_mem>>) src(%dma_wait3A_62 : memref<512x64xf32, #tpu.memory_space<vmem_shared>>) dst(%dma_wait3A_57 : memref<128x64xf32, #tpu.memory_space<vmem>>)
    %mul3A_63 = arith.constant 2048 : i32
    %mul3A_64 = arith.muli %add3A, %mul3A_63 : i32
    %add3A_65 = arith.constant 128 : i32
    %add3A_66 = arith.addi %mul3A_64, %add3A_65 : i32
    %dma_start3A_67 = arith.constant 1 : i32
    %dma_start3A_68 = arith.constant 1 : i32
    %dma_start3A_69 = arith.constant 0 : i32
    %dma_start3A_70 = arith.constant 0 : i32
    %dma_start3A_71 = tpu.memref_slice %arg7[%dma_start3A_67, %dma_start3A_69, %dma_start3A_70] : memref<2x128x64xf32, #tpu.memory_space<vmem>> -> memref<1x128x64xf32, #tpu.memory_space<vmem>>
    %dma_start3A_72 = tpu.memref_squeeze %dma_start3A_71 : memref<1x128x64xf32, #tpu.memory_space<vmem>> -> memref<128x64xf32, #tpu.memory_space<vmem>>
    %dma_start3A_73 = arith.constant 0 : i32
    %dma_start3A_74 = tpu.memref_slice %arg4[%add3A_66, %dma_start3A_73] : memref<65536x64xf32, #tpu.memory_space<hbm>> -> memref<128x64xf32, #tpu.memory_space<hbm>>
    %dma_start3A_75 = tpu.memref_slice %arg9[%dma_start3A_68] : memref<2x!tpu.dma_semaphore, #tpu.memory_space<semaphore_mem>> -> memref<1x!tpu.dma_semaphore, #tpu.memory_space<semaphore_mem>>
    %dma_start3A_76 = tpu.memref_squeeze %dma_start3A_75 : memref<1x!tpu.dma_semaphore, #tpu.memory_space<semaphore_mem>> -> memref<!tpu.dma_semaphore, #tpu.memory_space<semaphore_mem>>
    %dma_start3A_77 = arith.constant 0 : i32
    %dma_start3A_78 = tpu.memref_slice %arg4[%add3A_66, %dma_start3A_77] : memref<65536x64xf32, #tpu.memory_space<hbm>> -> memref<128x64xf32, #tpu.memory_space<hbm>>
    %dma_start3A_79 = arith.constant 0 : i32
    %dma_start3A_80 = arith.constant 0 : i32
    %dma_start3A_81 = tpu.memref_slice %arg7[%dma_start3A_67, %dma_start3A_79, %dma_start3A_80] : memref<2x128x64xf32, #tpu.memory_space<vmem>> -> memref<1x128x64xf32, #tpu.memory_space<vmem>>
    %dma_start3A_82 = tpu.memref_squeeze %dma_start3A_81 : memref<1x128x64xf32, #tpu.memory_space<vmem>> -> memref<128x64xf32, #tpu.memory_space<vmem>>
    tpu.enqueue_dma source(%dma_start3A_82 : memref<128x64xf32, #tpu.memory_space<vmem>>) target(%dma_start3A_78 : memref<128x64xf32, #tpu.memory_space<hbm>>) target_semaphore(%dma_start3A_76 : memref<!tpu.dma_semaphore, #tpu.memory_space<semaphore_mem>>)
    %dma_wait3A_83 = arith.constant 0 : i32
    %dma_wait3A_84 = arith.constant 0 : i32
    %dma_wait3A_85 = arith.constant 0 : i32
    %dma_wait3A_86 = arith.constant 0 : i32
    %dma_wait3A_87 = tpu.memref_slice %arg7[%dma_wait3A_83, %dma_wait3A_85, %dma_wait3A_86] : memref<2x128x64xf32, #tpu.memory_space<vmem>> -> memref<1x128x64xf32, #tpu.memory_space<vmem>>
    %dma_wait3A_88 = tpu.memref_squeeze %dma_wait3A_87 : memref<1x128x64xf32, #tpu.memory_space<vmem>> -> memref<128x64xf32, #tpu.memory_space<vmem>>
    %dma_wait3A_89 = arith.constant 0 : i32
    %dma_wait3A_90 = tpu.memref_slice %arg4[%add3A_26, %dma_wait3A_89] : memref<65536x64xf32, #tpu.memory_space<hbm>> -> memref<128x64xf32, #tpu.memory_space<hbm>>
    %dma_wait3A_91 = tpu.memref_slice %arg9[%dma_wait3A_84] : memref<2x!tpu.dma_semaphore, #tpu.memory_space<semaphore_mem>> -> memref<1x!tpu.dma_semaphore, #tpu.memory_space<semaphore_mem>>
    %dma_wait3A_92 = tpu.memref_squeeze %dma_wait3A_91 : memref<1x!tpu.dma_semaphore, #tpu.memory_space<semaphore_mem>> -> memref<!tpu.dma_semaphore, #tpu.memory_space<semaphore_mem>>
    %dma_wait3A_93 = arith.constant 0 : i32
    %dma_wait3A_94 = tpu.memref_slice %arg4[%add3A_26, %dma_wait3A_93] : memref<65536x64xf32, #tpu.memory_space<hbm>> -> memref<128x64xf32, #tpu.memory_space<hbm>>
    %dma_wait3A_95 = arith.constant 0 : i32
    %dma_wait3A_96 = arith.constant 0 : i32
    %dma_wait3A_97 = tpu.memref_slice %arg7[%dma_wait3A_83, %dma_wait3A_95, %dma_wait3A_96] : memref<2x128x64xf32, #tpu.memory_space<vmem>> -> memref<1x128x64xf32, #tpu.memory_space<vmem>>
    %dma_wait3A_98 = tpu.memref_squeeze %dma_wait3A_97 : memref<1x128x64xf32, #tpu.memory_space<vmem>> -> memref<128x64xf32, #tpu.memory_space<vmem>>
    tpu.wait_dma2 semaphore(%dma_wait3A_92 : memref<!tpu.dma_semaphore, #tpu.memory_space<semaphore_mem>>) src(%dma_wait3A_98 : memref<128x64xf32, #tpu.memory_space<vmem>>) dst(%dma_wait3A_94 : memref<128x64xf32, #tpu.memory_space<hbm>>)
    %dma_start3A_99 = arith.constant 0 : i32
    %dma_start3A_100 = arith.constant 0 : i32
    %dma_start3A_101 = arith.constant 0 : i32
    %dma_start3A_102 = tpu.memref_slice %arg7[%dma_start3A_99, %dma_start3A_100, %dma_start3A_101] : memref<2x128x64xf32, #tpu.memory_space<vmem>> -> memref<1x128x64xf32, #tpu.memory_space<vmem>>
    %dma_start3A_103 = tpu.memref_squeeze %dma_start3A_102 : memref<1x128x64xf32, #tpu.memory_space<vmem>> -> memref<128x64xf32, #tpu.memory_space<vmem>>
    %dma_start3A_104 = arith.constant 256 : i32
    %dma_start3A_105 = tpu.memref_slice %arg5[%dma_start3A_104] : memref<2048xi32, #tpu.memory_space<vmem>> -> memref<128xi32, #tpu.memory_space<vmem>>
    %dma_start3A_106 = arith.constant 0 : i32
    %dma_start3A_107 = arith.constant 0 : i32
    %dma_start3A_108 = tpu.memref_slice %arg6[%dma_start3A_106, %dma_start3A_107] : memref<512x64xf32, #tpu.memory_space<vmem_shared>> -> memref<512x64xf32, #tpu.memory_space<vmem_shared>>
    tpu.enqueue_indirect_dma source(%dma_start3A_108 : memref<512x64xf32, #tpu.memory_space<vmem_shared>>) target(%dma_start3A_103 : memref<128x64xf32, #tpu.memory_space<vmem>>) offsets(%dma_start3A_105 : memref<128xi32, #tpu.memory_space<vmem>>) semaphore(%arg8 : memref<!tpu.dma_semaphore, #tpu.memory_space<semaphore_mem>>)
    %dma_wait3A_109 = arith.constant 0 : i32
    %dma_wait3A_110 = arith.constant 0 : i32
    %dma_wait3A_111 = arith.constant 0 : i32
    %dma_wait3A_112 = tpu.memref_slice %arg7[%dma_wait3A_109, %dma_wait3A_110, %dma_wait3A_111] : memref<2x128x64xf32, #tpu.memory_space<vmem>> -> memref<1x128x64xf32, #tpu.memory_space<vmem>>
    %dma_wait3A_113 = tpu.memref_squeeze %dma_wait3A_112 : memref<1x128x64xf32, #tpu.memory_space<vmem>> -> memref<128x64xf32, #tpu.memory_space<vmem>>
    %dma_wait3A_114 = arith.constant 256 : i32
    %dma_wait3A_115 = tpu.memref_slice %arg5[%dma_wait3A_114] : memref<2048xi32, #tpu.memory_space<vmem>> -> memref<128xi32, #tpu.memory_space<vmem>>
    %dma_wait3A_116 = arith.constant 0 : i32
    %dma_wait3A_117 = arith.constant 0 : i32
    %dma_wait3A_118 = tpu.memref_slice %arg6[%dma_wait3A_116, %dma_wait3A_117] : memref<512x64xf32, #tpu.memory_space<vmem_shared>> -> memref<512x64xf32, #tpu.memory_space<vmem_shared>>
    tpu.wait_indirect_dma semaphore(%arg8 : memref<!tpu.dma_semaphore, #tpu.memory_space<semaphore_mem>>) src(%dma_wait3A_118 : memref<512x64xf32, #tpu.memory_space<vmem_shared>>) dst(%dma_wait3A_113 : memref<128x64xf32, #tpu.memory_space<vmem>>)
    %mul3A_119 = arith.constant 2048 : i32
    %mul3A_120 = arith.muli %add3A, %mul3A_119 : i32
    %add3A_121 = arith.constant 256 : i32
    %add3A_122 = arith.addi %mul3A_120, %add3A_121 : i32
    %dma_start3A_123 = arith.constant 0 : i32
    %dma_start3A_124 = arith.constant 0 : i32
    %dma_start3A_125 = arith.constant 0 : i32
    %dma_start3A_126 = arith.constant 0 : i32
    %dma_start3A_127 = tpu.memref_slice %arg7[%dma_start3A_123, %dma_start3A_125, %dma_start3A_126] : memref<2x128x64xf32, #tpu.memory_space<vmem>> -> memref<1x128x64xf32, #tpu.memory_space<vmem>>
    %dma_start3A_128 = tpu.memref_squeeze %dma_start3A_127 : memref<1x128x64xf32, #tpu.memory_space<vmem>> -> memref<128x64xf32, #tpu.memory_space<vmem>>
    %dma_start3A_129 = arith.constant 0 : i32
    %dma_start3A_130 = tpu.memref_slice %arg4[%add3A_122, %dma_start3A_129] : memref<65536x64xf32, #tpu.memory_space<hbm>> -> memref<128x64xf32, #tpu.memory_space<hbm>>
    %dma_start3A_131 = tpu.memref_slice %arg9[%dma_start3A_124] : memref<2x!tpu.dma_semaphore, #tpu.memory_space<semaphore_mem>> -> memref<1x!tpu.dma_semaphore, #tpu.memory_space<semaphore_mem>>
    %dma_start3A_132 = tpu.memref_squeeze %dma_start3A_131 : memref<1x!tpu.dma_semaphore, #tpu.memory_space<semaphore_mem>> -> memref<!tpu.dma_semaphore, #tpu.memory_space<semaphore_mem>>
    %dma_start3A_133 = arith.constant 0 : i32
    %dma_start3A_134 = tpu.memref_slice %arg4[%add3A_122, %dma_start3A_133] : memref<65536x64xf32, #tpu.memory_space<hbm>> -> memref<128x64xf32, #tpu.memory_space<hbm>>
    %dma_start3A_135 = arith.constant 0 : i32
    %dma_start3A_136 = arith.constant 0 : i32
    %dma_start3A_137 = tpu.memref_slice %arg7[%dma_start3A_123, %dma_start3A_135, %dma_start3A_136] : memref<2x128x64xf32, #tpu.memory_space<vmem>> -> memref<1x128x64xf32, #tpu.memory_space<vmem>>
    %dma_start3A_138 = tpu.memref_squeeze %dma_start3A_137 : memref<1x128x64xf32, #tpu.memory_space<vmem>> -> memref<128x64xf32, #tpu.memory_space<vmem>>
    tpu.enqueue_dma source(%dma_start3A_138 : memref<128x64xf32, #tpu.memory_space<vmem>>) target(%dma_start3A_134 : memref<128x64xf32, #tpu.memory_space<hbm>>) target_semaphore(%dma_start3A_132 : memref<!tpu.dma_semaphore, #tpu.memory_space<semaphore_mem>>)
    %dma_wait3A_139 = arith.constant 1 : i32
    %dma_wait3A_140 = arith.constant 1 : i32
    %dma_wait3A_141 = arith.constant 0 : i32
    %dma_wait3A_142 = arith.constant 0 : i32
    %dma_wait3A_143 = tpu.memref_slice %arg7[%dma_wait3A_139, %dma_wait3A_141, %dma_wait3A_142] : memref<2x128x64xf32, #tpu.memory_space<vmem>> -> memref<1x128x64xf32, #tpu.memory_space<vmem>>
    %dma_wait3A_144 = tpu.memref_squeeze %dma_wait3A_143 : memref<1x128x64xf32, #tpu.memory_space<vmem>> -> memref<128x64xf32, #tpu.memory_space<vmem>>
    %dma_wait3A_145 = arith.constant 0 : i32
    %dma_wait3A_146 = tpu.memref_slice %arg4[%add3A_66, %dma_wait3A_145] : memref<65536x64xf32, #tpu.memory_space<hbm>> -> memref<128x64xf32, #tpu.memory_space<hbm>>
    %dma_wait3A_147 = tpu.memref_slice %arg9[%dma_wait3A_140] : memref<2x!tpu.dma_semaphore, #tpu.memory_space<semaphore_mem>> -> memref<1x!tpu.dma_semaphore, #tpu.memory_space<semaphore_mem>>
    %dma_wait3A_148 = tpu.memref_squeeze %dma_wait3A_147 : memref<1x!tpu.dma_semaphore, #tpu.memory_space<semaphore_mem>> -> memref<!tpu.dma_semaphore, #tpu.memory_space<semaphore_mem>>
    %dma_wait3A_149 = arith.constant 0 : i32
    %dma_wait3A_150 = tpu.memref_slice %arg4[%add3A_66, %dma_wait3A_149] : memref<65536x64xf32, #tpu.memory_space<hbm>> -> memref<128x64xf32, #tpu.memory_space<hbm>>
    %dma_wait3A_151 = arith.constant 0 : i32
    %dma_wait3A_152 = arith.constant 0 : i32
    %dma_wait3A_153 = tpu.memref_slice %arg7[%dma_wait3A_139, %dma_wait3A_151, %dma_wait3A_152] : memref<2x128x64xf32, #tpu.memory_space<vmem>> -> memref<1x128x64xf32, #tpu.memory_space<vmem>>
    %dma_wait3A_154 = tpu.memref_squeeze %dma_wait3A_153 : memref<1x128x64xf32, #tpu.memory_space<vmem>> -> memref<128x64xf32, #tpu.memory_space<vmem>>
    tpu.wait_dma2 semaphore(%dma_wait3A_148 : memref<!tpu.dma_semaphore, #tpu.memory_space<semaphore_mem>>) src(%dma_wait3A_154 : memref<128x64xf32, #tpu.memory_space<vmem>>) dst(%dma_wait3A_150 : memref<128x64xf32, #tpu.memory_space<hbm>>)
    %dma_start3A_155 = arith.constant 1 : i32
    %dma_start3A_156 = arith.constant 0 : i32
    %dma_start3A_157 = arith.constant 0 : i32
    %dma_start3A_158 = tpu.memref_slice %arg7[%dma_start3A_155, %dma_start3A_156, %dma_start3A_157] : memref<2x128x64xf32, #tpu.memory_space<vmem>> -> memref<1x128x64xf32, #tpu.memory_space<vmem>>
    %dma_start3A_159 = tpu.memref_squeeze %dma_start3A_158 : memref<1x128x64xf32, #tpu.memory_space<vmem>> -> memref<128x64xf32, #tpu.memory_space<vmem>>
    %dma_start3A_160 = arith.constant 384 : i32
    %dma_start3A_161 = tpu.memref_slice %arg5[%dma_start3A_160] : memref<2048xi32, #tpu.memory_space<vmem>> -> memref<128xi32, #tpu.memory_space<vmem>>
    %dma_start3A_162 = arith.constant 0 : i32
    %dma_start3A_163 = arith.constant 0 : i32
    %dma_start3A_164 = tpu.memref_slice %arg6[%dma_start3A_162, %dma_start3A_163] : memref<512x64xf32, #tpu.memory_space<vmem_shared>> -> memref<512x64xf32, #tpu.memory_space<vmem_shared>>
    tpu.enqueue_indirect_dma source(%dma_start3A_164 : memref<512x64xf32, #tpu.memory_space<vmem_shared>>) target(%dma_start3A_159 : memref<128x64xf32, #tpu.memory_space<vmem>>) offsets(%dma_start3A_161 : memref<128xi32, #tpu.memory_space<vmem>>) semaphore(%arg8 : memref<!tpu.dma_semaphore, #tpu.memory_space<semaphore_mem>>)
    %dma_wait3A_165 = arith.constant 1 : i32
    %dma_wait3A_166 = arith.constant 0 : i32
    %dma_wait3A_167 = arith.constant 0 : i32
    %dma_wait3A_168 = tpu.memref_slice %arg7[%dma_wait3A_165, %dma_wait3A_166, %dma_wait3A_167] : memref<2x128x64xf32, #tpu.memory_space<vmem>> -> memref<1x128x64xf32, #tpu.memory_space<vmem>>
    %dma_wait3A_169 = tpu.memref_squeeze %dma_wait3A_168 : memref<1x128x64xf32, #tpu.memory_space<vmem>> -> memref<128x64xf32, #tpu.memory_space<vmem>>
    %dma_wait3A_170 = arith.constant 384 : i32
    %dma_wait3A_171 = tpu.memref_slice %arg5[%dma_wait3A_170] : memref<2048xi32, #tpu.memory_space<vmem>> -> memref<128xi32, #tpu.memory_space<vmem>>
    %dma_wait3A_172 = arith.constant 0 : i32
    %dma_wait3A_173 = arith.constant 0 : i32
    %dma_wait3A_174 = tpu.memref_slice %arg6[%dma_wait3A_172, %dma_wait3A_173] : memref<512x64xf32, #tpu.memory_space<vmem_shared>> -> memref<512x64xf32, #tpu.memory_space<vmem_shared>>
    tpu.wait_indirect_dma semaphore(%arg8 : memref<!tpu.dma_semaphore, #tpu.memory_space<semaphore_mem>>) src(%dma_wait3A_174 : memref<512x64xf32, #tpu.memory_space<vmem_shared>>) dst(%dma_wait3A_169 : memref<128x64xf32, #tpu.memory_space<vmem>>)
    %mul3A_175 = arith.constant 2048 : i32
    %mul3A_176 = arith.muli %add3A, %mul3A_175 : i32
    %add3A_177 = arith.constant 384 : i32
    %add3A_178 = arith.addi %mul3A_176, %add3A_177 : i32
    %dma_start3A_179 = arith.constant 1 : i32
    %dma_start3A_180 = arith.constant 1 : i32
    %dma_start3A_181 = arith.constant 0 : i32
    %dma_start3A_182 = arith.constant 0 : i32
    %dma_start3A_183 = tpu.memref_slice %arg7[%dma_start3A_179, %dma_start3A_181, %dma_start3A_182] : memref<2x128x64xf32, #tpu.memory_space<vmem>> -> memref<1x128x64xf32, #tpu.memory_space<vmem>>
    %dma_start3A_184 = tpu.memref_squeeze %dma_start3A_183 : memref<1x128x64xf32, #tpu.memory_space<vmem>> -> memref<128x64xf32, #tpu.memory_space<vmem>>
    %dma_start3A_185 = arith.constant 0 : i32
    %dma_start3A_186 = tpu.memref_slice %arg4[%add3A_178, %dma_start3A_185] : memref<65536x64xf32, #tpu.memory_space<hbm>> -> memref<128x64xf32, #tpu.memory_space<hbm>>
    %dma_start3A_187 = tpu.memref_slice %arg9[%dma_start3A_180] : memref<2x!tpu.dma_semaphore, #tpu.memory_space<semaphore_mem>> -> memref<1x!tpu.dma_semaphore, #tpu.memory_space<semaphore_mem>>
    %dma_start3A_188 = tpu.memref_squeeze %dma_start3A_187 : memref<1x!tpu.dma_semaphore, #tpu.memory_space<semaphore_mem>> -> memref<!tpu.dma_semaphore, #tpu.memory_space<semaphore_mem>>
    %dma_start3A_189 = arith.constant 0 : i32
    %dma_start3A_190 = tpu.memref_slice %arg4[%add3A_178, %dma_start3A_189] : memref<65536x64xf32, #tpu.memory_space<hbm>> -> memref<128x64xf32, #tpu.memory_space<hbm>>
    %dma_start3A_191 = arith.constant 0 : i32
    %dma_start3A_192 = arith.constant 0 : i32
    %dma_start3A_193 = tpu.memref_slice %arg7[%dma_start3A_179, %dma_start3A_191, %dma_start3A_192] : memref<2x128x64xf32, #tpu.memory_space<vmem>> -> memref<1x128x64xf32, #tpu.memory_space<vmem>>
    %dma_start3A_194 = tpu.memref_squeeze %dma_start3A_193 : memref<1x128x64xf32, #tpu.memory_space<vmem>> -> memref<128x64xf32, #tpu.memory_space<vmem>>
    tpu.enqueue_dma source(%dma_start3A_194 : memref<128x64xf32, #tpu.memory_space<vmem>>) target(%dma_start3A_190 : memref<128x64xf32, #tpu.memory_space<hbm>>) target_semaphore(%dma_start3A_188 : memref<!tpu.dma_semaphore, #tpu.memory_space<semaphore_mem>>)
    %dma_wait3A_195 = arith.constant 0 : i32
    %dma_wait3A_196 = arith.constant 0 : i32
    %dma_wait3A_197 = arith.constant 0 : i32
    %dma_wait3A_198 = arith.constant 0 : i32
    %dma_wait3A_199 = tpu.memref_slice %arg7[%dma_wait3A_195, %dma_wait3A_197, %dma_wait3A_198] : memref<2x128x64xf32, #tpu.memory_space<vmem>> -> memref<1x128x64xf32, #tpu.memory_space<vmem>>
    %dma_wait3A_200 = tpu.memref_squeeze %dma_wait3A_199 : memref<1x128x64xf32, #tpu.memory_space<vmem>> -> memref<128x64xf32, #tpu.memory_space<vmem>>
    %dma_wait3A_201 = arith.constant 0 : i32
    %dma_wait3A_202 = tpu.memref_slice %arg4[%add3A_122, %dma_wait3A_201] : memref<65536x64xf32, #tpu.memory_space<hbm>> -> memref<128x64xf32, #tpu.memory_space<hbm>>
    %dma_wait3A_203 = tpu.memref_slice %arg9[%dma_wait3A_196] : memref<2x!tpu.dma_semaphore, #tpu.memory_space<semaphore_mem>> -> memref<1x!tpu.dma_semaphore, #tpu.memory_space<semaphore_mem>>
    %dma_wait3A_204 = tpu.memref_squeeze %dma_wait3A_203 : memref<1x!tpu.dma_semaphore, #tpu.memory_space<semaphore_mem>> -> memref<!tpu.dma_semaphore, #tpu.memory_space<semaphore_mem>>
    %dma_wait3A_205 = arith.constant 0 : i32
    %dma_wait3A_206 = tpu.memref_slice %arg4[%add3A_122, %dma_wait3A_205] : memref<65536x64xf32, #tpu.memory_space<hbm>> -> memref<128x64xf32, #tpu.memory_space<hbm>>
    %dma_wait3A_207 = arith.constant 0 : i32
    %dma_wait3A_208 = arith.constant 0 : i32
    %dma_wait3A_209 = tpu.memref_slice %arg7[%dma_wait3A_195, %dma_wait3A_207, %dma_wait3A_208] : memref<2x128x64xf32, #tpu.memory_space<vmem>> -> memref<1x128x64xf32, #tpu.memory_space<vmem>>
    %dma_wait3A_210 = tpu.memref_squeeze %dma_wait3A_209 : memref<1x128x64xf32, #tpu.memory_space<vmem>> -> memref<128x64xf32, #tpu.memory_space<vmem>>
    tpu.wait_dma2 semaphore(%dma_wait3A_204 : memref<!tpu.dma_semaphore, #tpu.memory_space<semaphore_mem>>) src(%dma_wait3A_210 : memref<128x64xf32, #tpu.memory_space<vmem>>) dst(%dma_wait3A_206 : memref<128x64xf32, #tpu.memory_space<hbm>>)
    %dma_start3A_211 = arith.constant 0 : i32
    %dma_start3A_212 = arith.constant 0 : i32
    %dma_start3A_213 = arith.constant 0 : i32
    %dma_start3A_214 = tpu.memref_slice %arg7[%dma_start3A_211, %dma_start3A_212, %dma_start3A_213] : memref<2x128x64xf32, #tpu.memory_space<vmem>> -> memref<1x128x64xf32, #tpu.memory_space<vmem>>
    %dma_start3A_215 = tpu.memref_squeeze %dma_start3A_214 : memref<1x128x64xf32, #tpu.memory_space<vmem>> -> memref<128x64xf32, #tpu.memory_space<vmem>>
    %dma_start3A_216 = arith.constant 512 : i32
    %dma_start3A_217 = tpu.memref_slice %arg5[%dma_start3A_216] : memref<2048xi32, #tpu.memory_space<vmem>> -> memref<128xi32, #tpu.memory_space<vmem>>
    %dma_start3A_218 = arith.constant 0 : i32
    %dma_start3A_219 = arith.constant 0 : i32
    %dma_start3A_220 = tpu.memref_slice %arg6[%dma_start3A_218, %dma_start3A_219] : memref<512x64xf32, #tpu.memory_space<vmem_shared>> -> memref<512x64xf32, #tpu.memory_space<vmem_shared>>
    tpu.enqueue_indirect_dma source(%dma_start3A_220 : memref<512x64xf32, #tpu.memory_space<vmem_shared>>) target(%dma_start3A_215 : memref<128x64xf32, #tpu.memory_space<vmem>>) offsets(%dma_start3A_217 : memref<128xi32, #tpu.memory_space<vmem>>) semaphore(%arg8 : memref<!tpu.dma_semaphore, #tpu.memory_space<semaphore_mem>>)
    %dma_wait3A_221 = arith.constant 0 : i32
    %dma_wait3A_222 = arith.constant 0 : i32
    %dma_wait3A_223 = arith.constant 0 : i32
    %dma_wait3A_224 = tpu.memref_slice %arg7[%dma_wait3A_221, %dma_wait3A_222, %dma_wait3A_223] : memref<2x128x64xf32, #tpu.memory_space<vmem>> -> memref<1x128x64xf32, #tpu.memory_space<vmem>>
    %dma_wait3A_225 = tpu.memref_squeeze %dma_wait3A_224 : memref<1x128x64xf32, #tpu.memory_space<vmem>> -> memref<128x64xf32, #tpu.memory_space<vmem>>
    %dma_wait3A_226 = arith.constant 512 : i32
    %dma_wait3A_227 = tpu.memref_slice %arg5[%dma_wait3A_226] : memref<2048xi32, #tpu.memory_space<vmem>> -> memref<128xi32, #tpu.memory_space<vmem>>
    %dma_wait3A_228 = arith.constant 0 : i32
    %dma_wait3A_229 = arith.constant 0 : i32
    %dma_wait3A_230 = tpu.memref_slice %arg6[%dma_wait3A_228, %dma_wait3A_229] : memref<512x64xf32, #tpu.memory_space<vmem_shared>> -> memref<512x64xf32, #tpu.memory_space<vmem_shared>>
    tpu.wait_indirect_dma semaphore(%arg8 : memref<!tpu.dma_semaphore, #tpu.memory_space<semaphore_mem>>) src(%dma_wait3A_230 : memref<512x64xf32, #tpu.memory_space<vmem_shared>>) dst(%dma_wait3A_225 : memref<128x64xf32, #tpu.memory_space<vmem>>)
    %mul3A_231 = arith.constant 2048 : i32
    %mul3A_232 = arith.muli %add3A, %mul3A_231 : i32
    %add3A_233 = arith.constant 512 : i32
    %add3A_234 = arith.addi %mul3A_232, %add3A_233 : i32
    %dma_start3A_235 = arith.constant 0 : i32
    %dma_start3A_236 = arith.constant 0 : i32
    %dma_start3A_237 = arith.constant 0 : i32
    %dma_start3A_238 = arith.constant 0 : i32
    %dma_start3A_239 = tpu.memref_slice %arg7[%dma_start3A_235, %dma_start3A_237, %dma_start3A_238] : memref<2x128x64xf32, #tpu.memory_space<vmem>> -> memref<1x128x64xf32, #tpu.memory_space<vmem>>
    %dma_start3A_240 = tpu.memref_squeeze %dma_start3A_239 : memref<1x128x64xf32, #tpu.memory_space<vmem>> -> memref<128x64xf32, #tpu.memory_space<vmem>>
    %dma_start3A_241 = arith.constant 0 : i32
    %dma_start3A_242 = tpu.memref_slice %arg4[%add3A_234, %dma_start3A_241] : memref<65536x64xf32, #tpu.memory_space<hbm>> -> memref<128x64xf32, #tpu.memory_space<hbm>>
    %dma_start3A_243 = tpu.memref_slice %arg9[%dma_start3A_236] : memref<2x!tpu.dma_semaphore, #tpu.memory_space<semaphore_mem>> -> memref<1x!tpu.dma_semaphore, #tpu.memory_space<semaphore_mem>>
    %dma_start3A_244 = tpu.memref_squeeze %dma_start3A_243 : memref<1x!tpu.dma_semaphore, #tpu.memory_space<semaphore_mem>> -> memref<!tpu.dma_semaphore, #tpu.memory_space<semaphore_mem>>
    %dma_start3A_245 = arith.constant 0 : i32
    %dma_start3A_246 = tpu.memref_slice %arg4[%add3A_234, %dma_start3A_245] : memref<65536x64xf32, #tpu.memory_space<hbm>> -> memref<128x64xf32, #tpu.memory_space<hbm>>
    %dma_start3A_247 = arith.constant 0 : i32
    %dma_start3A_248 = arith.constant 0 : i32
    %dma_start3A_249 = tpu.memref_slice %arg7[%dma_start3A_235, %dma_start3A_247, %dma_start3A_248] : memref<2x128x64xf32, #tpu.memory_space<vmem>> -> memref<1x128x64xf32, #tpu.memory_space<vmem>>
    %dma_start3A_250 = tpu.memref_squeeze %dma_start3A_249 : memref<1x128x64xf32, #tpu.memory_space<vmem>> -> memref<128x64xf32, #tpu.memory_space<vmem>>
    tpu.enqueue_dma source(%dma_start3A_250 : memref<128x64xf32, #tpu.memory_space<vmem>>) target(%dma_start3A_246 : memref<128x64xf32, #tpu.memory_space<hbm>>) target_semaphore(%dma_start3A_244 : memref<!tpu.dma_semaphore, #tpu.memory_space<semaphore_mem>>)
    %dma_wait3A_251 = arith.constant 1 : i32
    %dma_wait3A_252 = arith.constant 1 : i32
    %dma_wait3A_253 = arith.constant 0 : i32
    %dma_wait3A_254 = arith.constant 0 : i32
    %dma_wait3A_255 = tpu.memref_slice %arg7[%dma_wait3A_251, %dma_wait3A_253, %dma_wait3A_254] : memref<2x128x64xf32, #tpu.memory_space<vmem>> -> memref<1x128x64xf32, #tpu.memory_space<vmem>>
    %dma_wait3A_256 = tpu.memref_squeeze %dma_wait3A_255 : memref<1x128x64xf32, #tpu.memory_space<vmem>> -> memref<128x64xf32, #tpu.memory_space<vmem>>
    %dma_wait3A_257 = arith.constant 0 : i32
    %dma_wait3A_258 = tpu.memref_slice %arg4[%add3A_178, %dma_wait3A_257] : memref<65536x64xf32, #tpu.memory_space<hbm>> -> memref<128x64xf32, #tpu.memory_space<hbm>>
    %dma_wait3A_259 = tpu.memref_slice %arg9[%dma_wait3A_252] : memref<2x!tpu.dma_semaphore, #tpu.memory_space<semaphore_mem>> -> memref<1x!tpu.dma_semaphore, #tpu.memory_space<semaphore_mem>>
    %dma_wait3A_260 = tpu.memref_squeeze %dma_wait3A_259 : memref<1x!tpu.dma_semaphore, #tpu.memory_space<semaphore_mem>> -> memref<!tpu.dma_semaphore, #tpu.memory_space<semaphore_mem>>
    %dma_wait3A_261 = arith.constant 0 : i32
    %dma_wait3A_262 = tpu.memref_slice %arg4[%add3A_178, %dma_wait3A_261] : memref<65536x64xf32, #tpu.memory_space<hbm>> -> memref<128x64xf32, #tpu.memory_space<hbm>>
    %dma_wait3A_263 = arith.constant 0 : i32
    %dma_wait3A_264 = arith.constant 0 : i32
    %dma_wait3A_265 = tpu.memref_slice %arg7[%dma_wait3A_251, %dma_wait3A_263, %dma_wait3A_264] : memref<2x128x64xf32, #tpu.memory_space<vmem>> -> memref<1x128x64xf32, #tpu.memory_space<vmem>>
    %dma_wait3A_266 = tpu.memref_squeeze %dma_wait3A_265 : memref<1x128x64xf32, #tpu.memory_space<vmem>> -> memref<128x64xf32, #tpu.memory_space<vmem>>
    tpu.wait_dma2 semaphore(%dma_wait3A_260 : memref<!tpu.dma_semaphore, #tpu.memory_space<semaphore_mem>>) src(%dma_wait3A_266 : memref<128x64xf32, #tpu.memory_space<vmem>>) dst(%dma_wait3A_262 : memref<128x64xf32, #tpu.memory_space<hbm>>)
    %dma_start3A_267 = arith.constant 1 : i32
    %dma_start3A_268 = arith.constant 0 : i32
    %dma_start3A_269 = arith.constant 0 : i32
    %dma_start3A_270 = tpu.memref_slice %arg7[%dma_start3A_267, %dma_start3A_268, %dma_start3A_269] : memref<2x128x64xf32, #tpu.memory_space<vmem>> -> memref<1x128x64xf32, #tpu.memory_space<vmem>>
    %dma_start3A_271 = tpu.memref_squeeze %dma_start3A_270 : memref<1x128x64xf32, #tpu.memory_space<vmem>> -> memref<128x64xf32, #tpu.memory_space<vmem>>
    %dma_start3A_272 = arith.constant 640 : i32
    %dma_start3A_273 = tpu.memref_slice %arg5[%dma_start3A_272] : memref<2048xi32, #tpu.memory_space<vmem>> -> memref<128xi32, #tpu.memory_space<vmem>>
    %dma_start3A_274 = arith.constant 0 : i32
    %dma_start3A_275 = arith.constant 0 : i32
    %dma_start3A_276 = tpu.memref_slice %arg6[%dma_start3A_274, %dma_start3A_275] : memref<512x64xf32, #tpu.memory_space<vmem_shared>> -> memref<512x64xf32, #tpu.memory_space<vmem_shared>>
    tpu.enqueue_indirect_dma source(%dma_start3A_276 : memref<512x64xf32, #tpu.memory_space<vmem_shared>>) target(%dma_start3A_271 : memref<128x64xf32, #tpu.memory_space<vmem>>) offsets(%dma_start3A_273 : memref<128xi32, #tpu.memory_space<vmem>>) semaphore(%arg8 : memref<!tpu.dma_semaphore, #tpu.memory_space<semaphore_mem>>)
    %dma_wait3A_277 = arith.constant 1 : i32
    %dma_wait3A_278 = arith.constant 0 : i32
    %dma_wait3A_279 = arith.constant 0 : i32
    %dma_wait3A_280 = tpu.memref_slice %arg7[%dma_wait3A_277, %dma_wait3A_278, %dma_wait3A_279] : memref<2x128x64xf32, #tpu.memory_space<vmem>> -> memref<1x128x64xf32, #tpu.memory_space<vmem>>
    %dma_wait3A_281 = tpu.memref_squeeze %dma_wait3A_280 : memref<1x128x64xf32, #tpu.memory_space<vmem>> -> memref<128x64xf32, #tpu.memory_space<vmem>>
    %dma_wait3A_282 = arith.constant 640 : i32
    %dma_wait3A_283 = tpu.memref_slice %arg5[%dma_wait3A_282] : memref<2048xi32, #tpu.memory_space<vmem>> -> memref<128xi32, #tpu.memory_space<vmem>>
    %dma_wait3A_284 = arith.constant 0 : i32
    %dma_wait3A_285 = arith.constant 0 : i32
    %dma_wait3A_286 = tpu.memref_slice %arg6[%dma_wait3A_284, %dma_wait3A_285] : memref<512x64xf32, #tpu.memory_space<vmem_shared>> -> memref<512x64xf32, #tpu.memory_space<vmem_shared>>
    tpu.wait_indirect_dma semaphore(%arg8 : memref<!tpu.dma_semaphore, #tpu.memory_space<semaphore_mem>>) src(%dma_wait3A_286 : memref<512x64xf32, #tpu.memory_space<vmem_shared>>) dst(%dma_wait3A_281 : memref<128x64xf32, #tpu.memory_space<vmem>>)
    %mul3A_287 = arith.constant 2048 : i32
    %mul3A_288 = arith.muli %add3A, %mul3A_287 : i32
    %add3A_289 = arith.constant 640 : i32
    %add3A_290 = arith.addi %mul3A_288, %add3A_289 : i32
    %dma_start3A_291 = arith.constant 1 : i32
    %dma_start3A_292 = arith.constant 1 : i32
    %dma_start3A_293 = arith.constant 0 : i32
    %dma_start3A_294 = arith.constant 0 : i32
    %dma_start3A_295 = tpu.memref_slice %arg7[%dma_start3A_291, %dma_start3A_293, %dma_start3A_294] : memref<2x128x64xf32, #tpu.memory_space<vmem>> -> memref<1x128x64xf32, #tpu.memory_space<vmem>>
    %dma_start3A_296 = tpu.memref_squeeze %dma_start3A_295 : memref<1x128x64xf32, #tpu.memory_space<vmem>> -> memref<128x64xf32, #tpu.memory_space<vmem>>
    %dma_start3A_297 = arith.constant 0 : i32
    %dma_start3A_298 = tpu.memref_slice %arg4[%add3A_290, %dma_start3A_297] : memref<65536x64xf32, #tpu.memory_space<hbm>> -> memref<128x64xf32, #tpu.memory_space<hbm>>
    %dma_start3A_299 = tpu.memref_slice %arg9[%dma_start3A_292] : memref<2x!tpu.dma_semaphore, #tpu.memory_space<semaphore_mem>> -> memref<1x!tpu.dma_semaphore, #tpu.memory_space<semaphore_mem>>
    %dma_start3A_300 = tpu.memref_squeeze %dma_start3A_299 : memref<1x!tpu.dma_semaphore, #tpu.memory_space<semaphore_mem>> -> memref<!tpu.dma_semaphore, #tpu.memory_space<semaphore_mem>>
    %dma_start3A_301 = arith.constant 0 : i32
    %dma_start3A_302 = tpu.memref_slice %arg4[%add3A_290, %dma_start3A_301] : memref<65536x64xf32, #tpu.memory_space<hbm>> -> memref<128x64xf32, #tpu.memory_space<hbm>>
    %dma_start3A_303 = arith.constant 0 : i32
    %dma_start3A_304 = arith.constant 0 : i32
    %dma_start3A_305 = tpu.memref_slice %arg7[%dma_start3A_291, %dma_start3A_303, %dma_start3A_304] : memref<2x128x64xf32, #tpu.memory_space<vmem>> -> memref<1x128x64xf32, #tpu.memory_space<vmem>>
    %dma_start3A_306 = tpu.memref_squeeze %dma_start3A_305 : memref<1x128x64xf32, #tpu.memory_space<vmem>> -> memref<128x64xf32, #tpu.memory_space<vmem>>
    tpu.enqueue_dma source(%dma_start3A_306 : memref<128x64xf32, #tpu.memory_space<vmem>>) target(%dma_start3A_302 : memref<128x64xf32, #tpu.memory_space<hbm>>) target_semaphore(%dma_start3A_300 : memref<!tpu.dma_semaphore, #tpu.memory_space<semaphore_mem>>)
    %dma_wait3A_307 = arith.constant 0 : i32
    %dma_wait3A_308 = arith.constant 0 : i32
    %dma_wait3A_309 = arith.constant 0 : i32
    %dma_wait3A_310 = arith.constant 0 : i32
    %dma_wait3A_311 = tpu.memref_slice %arg7[%dma_wait3A_307, %dma_wait3A_309, %dma_wait3A_310] : memref<2x128x64xf32, #tpu.memory_space<vmem>> -> memref<1x128x64xf32, #tpu.memory_space<vmem>>
    %dma_wait3A_312 = tpu.memref_squeeze %dma_wait3A_311 : memref<1x128x64xf32, #tpu.memory_space<vmem>> -> memref<128x64xf32, #tpu.memory_space<vmem>>
    %dma_wait3A_313 = arith.constant 0 : i32
    %dma_wait3A_314 = tpu.memref_slice %arg4[%add3A_234, %dma_wait3A_313] : memref<65536x64xf32, #tpu.memory_space<hbm>> -> memref<128x64xf32, #tpu.memory_space<hbm>>
    %dma_wait3A_315 = tpu.memref_slice %arg9[%dma_wait3A_308] : memref<2x!tpu.dma_semaphore, #tpu.memory_space<semaphore_mem>> -> memref<1x!tpu.dma_semaphore, #tpu.memory_space<semaphore_mem>>
    %dma_wait3A_316 = tpu.memref_squeeze %dma_wait3A_315 : memref<1x!tpu.dma_semaphore, #tpu.memory_space<semaphore_mem>> -> memref<!tpu.dma_semaphore, #tpu.memory_space<semaphore_mem>>
    %dma_wait3A_317 = arith.constant 0 : i32
    %dma_wait3A_318 = tpu.memref_slice %arg4[%add3A_234, %dma_wait3A_317] : memref<65536x64xf32, #tpu.memory_space<hbm>> -> memref<128x64xf32, #tpu.memory_space<hbm>>
    %dma_wait3A_319 = arith.constant 0 : i32
    %dma_wait3A_320 = arith.constant 0 : i32
    %dma_wait3A_321 = tpu.memref_slice %arg7[%dma_wait3A_307, %dma_wait3A_319, %dma_wait3A_320] : memref<2x128x64xf32, #tpu.memory_space<vmem>> -> memref<1x128x64xf32, #tpu.memory_space<vmem>>
    %dma_wait3A_322 = tpu.memref_squeeze %dma_wait3A_321 : memref<1x128x64xf32, #tpu.memory_space<vmem>> -> memref<128x64xf32, #tpu.memory_space<vmem>>
    tpu.wait_dma2 semaphore(%dma_wait3A_316 : memref<!tpu.dma_semaphore, #tpu.memory_space<semaphore_mem>>) src(%dma_wait3A_322 : memref<128x64xf32, #tpu.memory_space<vmem>>) dst(%dma_wait3A_318 : memref<128x64xf32, #tpu.memory_space<hbm>>)
    %dma_start3A_323 = arith.constant 0 : i32
    %dma_start3A_324 = arith.constant 0 : i32
    %dma_start3A_325 = arith.constant 0 : i32
    %dma_start3A_326 = tpu.memref_slice %arg7[%dma_start3A_323, %dma_start3A_324, %dma_start3A_325] : memref<2x128x64xf32, #tpu.memory_space<vmem>> -> memref<1x128x64xf32, #tpu.memory_space<vmem>>
    %dma_start3A_327 = tpu.memref_squeeze %dma_start3A_326 : memref<1x128x64xf32, #tpu.memory_space<vmem>> -> memref<128x64xf32, #tpu.memory_space<vmem>>
    %dma_start3A_328 = arith.constant 768 : i32
    %dma_start3A_329 = tpu.memref_slice %arg5[%dma_start3A_328] : memref<2048xi32, #tpu.memory_space<vmem>> -> memref<128xi32, #tpu.memory_space<vmem>>
    %dma_start3A_330 = arith.constant 0 : i32
    %dma_start3A_331 = arith.constant 0 : i32
    %dma_start3A_332 = tpu.memref_slice %arg6[%dma_start3A_330, %dma_start3A_331] : memref<512x64xf32, #tpu.memory_space<vmem_shared>> -> memref<512x64xf32, #tpu.memory_space<vmem_shared>>
    tpu.enqueue_indirect_dma source(%dma_start3A_332 : memref<512x64xf32, #tpu.memory_space<vmem_shared>>) target(%dma_start3A_327 : memref<128x64xf32, #tpu.memory_space<vmem>>) offsets(%dma_start3A_329 : memref<128xi32, #tpu.memory_space<vmem>>) semaphore(%arg8 : memref<!tpu.dma_semaphore, #tpu.memory_space<semaphore_mem>>)
    %dma_wait3A_333 = arith.constant 0 : i32
    %dma_wait3A_334 = arith.constant 0 : i32
    %dma_wait3A_335 = arith.constant 0 : i32
    %dma_wait3A_336 = tpu.memref_slice %arg7[%dma_wait3A_333, %dma_wait3A_334, %dma_wait3A_335] : memref<2x128x64xf32, #tpu.memory_space<vmem>> -> memref<1x128x64xf32, #tpu.memory_space<vmem>>
    %dma_wait3A_337 = tpu.memref_squeeze %dma_wait3A_336 : memref<1x128x64xf32, #tpu.memory_space<vmem>> -> memref<128x64xf32, #tpu.memory_space<vmem>>
    %dma_wait3A_338 = arith.constant 768 : i32
    %dma_wait3A_339 = tpu.memref_slice %arg5[%dma_wait3A_338] : memref<2048xi32, #tpu.memory_space<vmem>> -> memref<128xi32, #tpu.memory_space<vmem>>
    %dma_wait3A_340 = arith.constant 0 : i32
    %dma_wait3A_341 = arith.constant 0 : i32
    %dma_wait3A_342 = tpu.memref_slice %arg6[%dma_wait3A_340, %dma_wait3A_341] : memref<512x64xf32, #tpu.memory_space<vmem_shared>> -> memref<512x64xf32, #tpu.memory_space<vmem_shared>>
    tpu.wait_indirect_dma semaphore(%arg8 : memref<!tpu.dma_semaphore, #tpu.memory_space<semaphore_mem>>) src(%dma_wait3A_342 : memref<512x64xf32, #tpu.memory_space<vmem_shared>>) dst(%dma_wait3A_337 : memref<128x64xf32, #tpu.memory_space<vmem>>)
    %mul3A_343 = arith.constant 2048 : i32
    %mul3A_344 = arith.muli %add3A, %mul3A_343 : i32
    %add3A_345 = arith.constant 768 : i32
    %add3A_346 = arith.addi %mul3A_344, %add3A_345 : i32
    %dma_start3A_347 = arith.constant 0 : i32
    %dma_start3A_348 = arith.constant 0 : i32
    %dma_start3A_349 = arith.constant 0 : i32
    %dma_start3A_350 = arith.constant 0 : i32
    %dma_start3A_351 = tpu.memref_slice %arg7[%dma_start3A_347, %dma_start3A_349, %dma_start3A_350] : memref<2x128x64xf32, #tpu.memory_space<vmem>> -> memref<1x128x64xf32, #tpu.memory_space<vmem>>
    %dma_start3A_352 = tpu.memref_squeeze %dma_start3A_351 : memref<1x128x64xf32, #tpu.memory_space<vmem>> -> memref<128x64xf32, #tpu.memory_space<vmem>>
    %dma_start3A_353 = arith.constant 0 : i32
    %dma_start3A_354 = tpu.memref_slice %arg4[%add3A_346, %dma_start3A_353] : memref<65536x64xf32, #tpu.memory_space<hbm>> -> memref<128x64xf32, #tpu.memory_space<hbm>>
    %dma_start3A_355 = tpu.memref_slice %arg9[%dma_start3A_348] : memref<2x!tpu.dma_semaphore, #tpu.memory_space<semaphore_mem>> -> memref<1x!tpu.dma_semaphore, #tpu.memory_space<semaphore_mem>>
    %dma_start3A_356 = tpu.memref_squeeze %dma_start3A_355 : memref<1x!tpu.dma_semaphore, #tpu.memory_space<semaphore_mem>> -> memref<!tpu.dma_semaphore, #tpu.memory_space<semaphore_mem>>
    %dma_start3A_357 = arith.constant 0 : i32
    %dma_start3A_358 = tpu.memref_slice %arg4[%add3A_346, %dma_start3A_357] : memref<65536x64xf32, #tpu.memory_space<hbm>> -> memref<128x64xf32, #tpu.memory_space<hbm>>
    %dma_start3A_359 = arith.constant 0 : i32
    %dma_start3A_360 = arith.constant 0 : i32
    %dma_start3A_361 = tpu.memref_slice %arg7[%dma_start3A_347, %dma_start3A_359, %dma_start3A_360] : memref<2x128x64xf32, #tpu.memory_space<vmem>> -> memref<1x128x64xf32, #tpu.memory_space<vmem>>
    %dma_start3A_362 = tpu.memref_squeeze %dma_start3A_361 : memref<1x128x64xf32, #tpu.memory_space<vmem>> -> memref<128x64xf32, #tpu.memory_space<vmem>>
    tpu.enqueue_dma source(%dma_start3A_362 : memref<128x64xf32, #tpu.memory_space<vmem>>) target(%dma_start3A_358 : memref<128x64xf32, #tpu.memory_space<hbm>>) target_semaphore(%dma_start3A_356 : memref<!tpu.dma_semaphore, #tpu.memory_space<semaphore_mem>>)
    %dma_wait3A_363 = arith.constant 1 : i32
    %dma_wait3A_364 = arith.constant 1 : i32
    %dma_wait3A_365 = arith.constant 0 : i32
    %dma_wait3A_366 = arith.constant 0 : i32
    %dma_wait3A_367 = tpu.memref_slice %arg7[%dma_wait3A_363, %dma_wait3A_365, %dma_wait3A_366] : memref<2x128x64xf32, #tpu.memory_space<vmem>> -> memref<1x128x64xf32, #tpu.memory_space<vmem>>
    %dma_wait3A_368 = tpu.memref_squeeze %dma_wait3A_367 : memref<1x128x64xf32, #tpu.memory_space<vmem>> -> memref<128x64xf32, #tpu.memory_space<vmem>>
    %dma_wait3A_369 = arith.constant 0 : i32
    %dma_wait3A_370 = tpu.memref_slice %arg4[%add3A_290, %dma_wait3A_369] : memref<65536x64xf32, #tpu.memory_space<hbm>> -> memref<128x64xf32, #tpu.memory_space<hbm>>
    %dma_wait3A_371 = tpu.memref_slice %arg9[%dma_wait3A_364] : memref<2x!tpu.dma_semaphore, #tpu.memory_space<semaphore_mem>> -> memref<1x!tpu.dma_semaphore, #tpu.memory_space<semaphore_mem>>
    %dma_wait3A_372 = tpu.memref_squeeze %dma_wait3A_371 : memref<1x!tpu.dma_semaphore, #tpu.memory_space<semaphore_mem>> -> memref<!tpu.dma_semaphore, #tpu.memory_space<semaphore_mem>>
    %dma_wait3A_373 = arith.constant 0 : i32
    %dma_wait3A_374 = tpu.memref_slice %arg4[%add3A_290, %dma_wait3A_373] : memref<65536x64xf32, #tpu.memory_space<hbm>> -> memref<128x64xf32, #tpu.memory_space<hbm>>
    %dma_wait3A_375 = arith.constant 0 : i32
    %dma_wait3A_376 = arith.constant 0 : i32
    %dma_wait3A_377 = tpu.memref_slice %arg7[%dma_wait3A_363, %dma_wait3A_375, %dma_wait3A_376] : memref<2x128x64xf32, #tpu.memory_space<vmem>> -> memref<1x128x64xf32, #tpu.memory_space<vmem>>
    %dma_wait3A_378 = tpu.memref_squeeze %dma_wait3A_377 : memref<1x128x64xf32, #tpu.memory_space<vmem>> -> memref<128x64xf32, #tpu.memory_space<vmem>>
    tpu.wait_dma2 semaphore(%dma_wait3A_372 : memref<!tpu.dma_semaphore, #tpu.memory_space<semaphore_mem>>) src(%dma_wait3A_378 : memref<128x64xf32, #tpu.memory_space<vmem>>) dst(%dma_wait3A_374 : memref<128x64xf32, #tpu.memory_space<hbm>>)
    %dma_start3A_379 = arith.constant 1 : i32
    %dma_start3A_380 = arith.constant 0 : i32
    %dma_start3A_381 = arith.constant 0 : i32
    %dma_start3A_382 = tpu.memref_slice %arg7[%dma_start3A_379, %dma_start3A_380, %dma_start3A_381] : memref<2x128x64xf32, #tpu.memory_space<vmem>> -> memref<1x128x64xf32, #tpu.memory_space<vmem>>
    %dma_start3A_383 = tpu.memref_squeeze %dma_start3A_382 : memref<1x128x64xf32, #tpu.memory_space<vmem>> -> memref<128x64xf32, #tpu.memory_space<vmem>>
    %dma_start3A_384 = arith.constant 896 : i32
    %dma_start3A_385 = tpu.memref_slice %arg5[%dma_start3A_384] : memref<2048xi32, #tpu.memory_space<vmem>> -> memref<128xi32, #tpu.memory_space<vmem>>
    %dma_start3A_386 = arith.constant 0 : i32
    %dma_start3A_387 = arith.constant 0 : i32
    %dma_start3A_388 = tpu.memref_slice %arg6[%dma_start3A_386, %dma_start3A_387] : memref<512x64xf32, #tpu.memory_space<vmem_shared>> -> memref<512x64xf32, #tpu.memory_space<vmem_shared>>
    tpu.enqueue_indirect_dma source(%dma_start3A_388 : memref<512x64xf32, #tpu.memory_space<vmem_shared>>) target(%dma_start3A_383 : memref<128x64xf32, #tpu.memory_space<vmem>>) offsets(%dma_start3A_385 : memref<128xi32, #tpu.memory_space<vmem>>) semaphore(%arg8 : memref<!tpu.dma_semaphore, #tpu.memory_space<semaphore_mem>>)
    %dma_wait3A_389 = arith.constant 1 : i32
    %dma_wait3A_390 = arith.constant 0 : i32
    %dma_wait3A_391 = arith.constant 0 : i32
    %dma_wait3A_392 = tpu.memref_slice %arg7[%dma_wait3A_389, %dma_wait3A_390, %dma_wait3A_391] : memref<2x128x64xf32, #tpu.memory_space<vmem>> -> memref<1x128x64xf32, #tpu.memory_space<vmem>>
    %dma_wait3A_393 = tpu.memref_squeeze %dma_wait3A_392 : memref<1x128x64xf32, #tpu.memory_space<vmem>> -> memref<128x64xf32, #tpu.memory_space<vmem>>
    %dma_wait3A_394 = arith.constant 896 : i32
    %dma_wait3A_395 = tpu.memref_slice %arg5[%dma_wait3A_394] : memref<2048xi32, #tpu.memory_space<vmem>> -> memref<128xi32, #tpu.memory_space<vmem>>
    %dma_wait3A_396 = arith.constant 0 : i32
    %dma_wait3A_397 = arith.constant 0 : i32
    %dma_wait3A_398 = tpu.memref_slice %arg6[%dma_wait3A_396, %dma_wait3A_397] : memref<512x64xf32, #tpu.memory_space<vmem_shared>> -> memref<512x64xf32, #tpu.memory_space<vmem_shared>>
    tpu.wait_indirect_dma semaphore(%arg8 : memref<!tpu.dma_semaphore, #tpu.memory_space<semaphore_mem>>) src(%dma_wait3A_398 : memref<512x64xf32, #tpu.memory_space<vmem_shared>>) dst(%dma_wait3A_393 : memref<128x64xf32, #tpu.memory_space<vmem>>)
    %mul3A_399 = arith.constant 2048 : i32
    %mul3A_400 = arith.muli %add3A, %mul3A_399 : i32
    %add3A_401 = arith.constant 896 : i32
    %add3A_402 = arith.addi %mul3A_400, %add3A_401 : i32
    %dma_start3A_403 = arith.constant 1 : i32
    %dma_start3A_404 = arith.constant 1 : i32
    %dma_start3A_405 = arith.constant 0 : i32
    %dma_start3A_406 = arith.constant 0 : i32
    %dma_start3A_407 = tpu.memref_slice %arg7[%dma_start3A_403, %dma_start3A_405, %dma_start3A_406] : memref<2x128x64xf32, #tpu.memory_space<vmem>> -> memref<1x128x64xf32, #tpu.memory_space<vmem>>
    %dma_start3A_408 = tpu.memref_squeeze %dma_start3A_407 : memref<1x128x64xf32, #tpu.memory_space<vmem>> -> memref<128x64xf32, #tpu.memory_space<vmem>>
    %dma_start3A_409 = arith.constant 0 : i32
    %dma_start3A_410 = tpu.memref_slice %arg4[%add3A_402, %dma_start3A_409] : memref<65536x64xf32, #tpu.memory_space<hbm>> -> memref<128x64xf32, #tpu.memory_space<hbm>>
    %dma_start3A_411 = tpu.memref_slice %arg9[%dma_start3A_404] : memref<2x!tpu.dma_semaphore, #tpu.memory_space<semaphore_mem>> -> memref<1x!tpu.dma_semaphore, #tpu.memory_space<semaphore_mem>>
    %dma_start3A_412 = tpu.memref_squeeze %dma_start3A_411 : memref<1x!tpu.dma_semaphore, #tpu.memory_space<semaphore_mem>> -> memref<!tpu.dma_semaphore, #tpu.memory_space<semaphore_mem>>
    %dma_start3A_413 = arith.constant 0 : i32
    %dma_start3A_414 = tpu.memref_slice %arg4[%add3A_402, %dma_start3A_413] : memref<65536x64xf32, #tpu.memory_space<hbm>> -> memref<128x64xf32, #tpu.memory_space<hbm>>
    %dma_start3A_415 = arith.constant 0 : i32
    %dma_start3A_416 = arith.constant 0 : i32
    %dma_start3A_417 = tpu.memref_slice %arg7[%dma_start3A_403, %dma_start3A_415, %dma_start3A_416] : memref<2x128x64xf32, #tpu.memory_space<vmem>> -> memref<1x128x64xf32, #tpu.memory_space<vmem>>
    %dma_start3A_418 = tpu.memref_squeeze %dma_start3A_417 : memref<1x128x64xf32, #tpu.memory_space<vmem>> -> memref<128x64xf32, #tpu.memory_space<vmem>>
    tpu.enqueue_dma source(%dma_start3A_418 : memref<128x64xf32, #tpu.memory_space<vmem>>) target(%dma_start3A_414 : memref<128x64xf32, #tpu.memory_space<hbm>>) target_semaphore(%dma_start3A_412 : memref<!tpu.dma_semaphore, #tpu.memory_space<semaphore_mem>>)
    %dma_wait3A_419 = arith.constant 0 : i32
    %dma_wait3A_420 = arith.constant 0 : i32
    %dma_wait3A_421 = arith.constant 0 : i32
    %dma_wait3A_422 = arith.constant 0 : i32
    %dma_wait3A_423 = tpu.memref_slice %arg7[%dma_wait3A_419, %dma_wait3A_421, %dma_wait3A_422] : memref<2x128x64xf32, #tpu.memory_space<vmem>> -> memref<1x128x64xf32, #tpu.memory_space<vmem>>
    %dma_wait3A_424 = tpu.memref_squeeze %dma_wait3A_423 : memref<1x128x64xf32, #tpu.memory_space<vmem>> -> memref<128x64xf32, #tpu.memory_space<vmem>>
    %dma_wait3A_425 = arith.constant 0 : i32
    %dma_wait3A_426 = tpu.memref_slice %arg4[%add3A_346, %dma_wait3A_425] : memref<65536x64xf32, #tpu.memory_space<hbm>> -> memref<128x64xf32, #tpu.memory_space<hbm>>
    %dma_wait3A_427 = tpu.memref_slice %arg9[%dma_wait3A_420] : memref<2x!tpu.dma_semaphore, #tpu.memory_space<semaphore_mem>> -> memref<1x!tpu.dma_semaphore, #tpu.memory_space<semaphore_mem>>
    %dma_wait3A_428 = tpu.memref_squeeze %dma_wait3A_427 : memref<1x!tpu.dma_semaphore, #tpu.memory_space<semaphore_mem>> -> memref<!tpu.dma_semaphore, #tpu.memory_space<semaphore_mem>>
    %dma_wait3A_429 = arith.constant 0 : i32
    %dma_wait3A_430 = tpu.memref_slice %arg4[%add3A_346, %dma_wait3A_429] : memref<65536x64xf32, #tpu.memory_space<hbm>> -> memref<128x64xf32, #tpu.memory_space<hbm>>
    %dma_wait3A_431 = arith.constant 0 : i32
    %dma_wait3A_432 = arith.constant 0 : i32
    %dma_wait3A_433 = tpu.memref_slice %arg7[%dma_wait3A_419, %dma_wait3A_431, %dma_wait3A_432] : memref<2x128x64xf32, #tpu.memory_space<vmem>> -> memref<1x128x64xf32, #tpu.memory_space<vmem>>
    %dma_wait3A_434 = tpu.memref_squeeze %dma_wait3A_433 : memref<1x128x64xf32, #tpu.memory_space<vmem>> -> memref<128x64xf32, #tpu.memory_space<vmem>>
    tpu.wait_dma2 semaphore(%dma_wait3A_428 : memref<!tpu.dma_semaphore, #tpu.memory_space<semaphore_mem>>) src(%dma_wait3A_434 : memref<128x64xf32, #tpu.memory_space<vmem>>) dst(%dma_wait3A_430 : memref<128x64xf32, #tpu.memory_space<hbm>>)
    %dma_start3A_435 = arith.constant 0 : i32
    %dma_start3A_436 = arith.constant 0 : i32
    %dma_start3A_437 = arith.constant 0 : i32
    %dma_start3A_438 = tpu.memref_slice %arg7[%dma_start3A_435, %dma_start3A_436, %dma_start3A_437] : memref<2x128x64xf32, #tpu.memory_space<vmem>> -> memref<1x128x64xf32, #tpu.memory_space<vmem>>
    %dma_start3A_439 = tpu.memref_squeeze %dma_start3A_438 : memref<1x128x64xf32, #tpu.memory_space<vmem>> -> memref<128x64xf32, #tpu.memory_space<vmem>>
    %dma_start3A_440 = arith.constant 1024 : i32
    %dma_start3A_441 = tpu.memref_slice %arg5[%dma_start3A_440] : memref<2048xi32, #tpu.memory_space<vmem>> -> memref<128xi32, #tpu.memory_space<vmem>>
    %dma_start3A_442 = arith.constant 0 : i32
    %dma_start3A_443 = arith.constant 0 : i32
    %dma_start3A_444 = tpu.memref_slice %arg6[%dma_start3A_442, %dma_start3A_443] : memref<512x64xf32, #tpu.memory_space<vmem_shared>> -> memref<512x64xf32, #tpu.memory_space<vmem_shared>>
    tpu.enqueue_indirect_dma source(%dma_start3A_444 : memref<512x64xf32, #tpu.memory_space<vmem_shared>>) target(%dma_start3A_439 : memref<128x64xf32, #tpu.memory_space<vmem>>) offsets(%dma_start3A_441 : memref<128xi32, #tpu.memory_space<vmem>>) semaphore(%arg8 : memref<!tpu.dma_semaphore, #tpu.memory_space<semaphore_mem>>)
    %dma_wait3A_445 = arith.constant 0 : i32
    %dma_wait3A_446 = arith.constant 0 : i32
    %dma_wait3A_447 = arith.constant 0 : i32
    %dma_wait3A_448 = tpu.memref_slice %arg7[%dma_wait3A_445, %dma_wait3A_446, %dma_wait3A_447] : memref<2x128x64xf32, #tpu.memory_space<vmem>> -> memref<1x128x64xf32, #tpu.memory_space<vmem>>
    %dma_wait3A_449 = tpu.memref_squeeze %dma_wait3A_448 : memref<1x128x64xf32, #tpu.memory_space<vmem>> -> memref<128x64xf32, #tpu.memory_space<vmem>>
    %dma_wait3A_450 = arith.constant 1024 : i32
    %dma_wait3A_451 = tpu.memref_slice %arg5[%dma_wait3A_450] : memref<2048xi32, #tpu.memory_space<vmem>> -> memref<128xi32, #tpu.memory_space<vmem>>
    %dma_wait3A_452 = arith.constant 0 : i32
    %dma_wait3A_453 = arith.constant 0 : i32
    %dma_wait3A_454 = tpu.memref_slice %arg6[%dma_wait3A_452, %dma_wait3A_453] : memref<512x64xf32, #tpu.memory_space<vmem_shared>> -> memref<512x64xf32, #tpu.memory_space<vmem_shared>>
    tpu.wait_indirect_dma semaphore(%arg8 : memref<!tpu.dma_semaphore, #tpu.memory_space<semaphore_mem>>) src(%dma_wait3A_454 : memref<512x64xf32, #tpu.memory_space<vmem_shared>>) dst(%dma_wait3A_449 : memref<128x64xf32, #tpu.memory_space<vmem>>)
    %mul3A_455 = arith.constant 2048 : i32
    %mul3A_456 = arith.muli %add3A, %mul3A_455 : i32
    %add3A_457 = arith.constant 1024 : i32
    %add3A_458 = arith.addi %mul3A_456, %add3A_457 : i32
    %dma_start3A_459 = arith.constant 0 : i32
    %dma_start3A_460 = arith.constant 0 : i32
    %dma_start3A_461 = arith.constant 0 : i32
    %dma_start3A_462 = arith.constant 0 : i32
    %dma_start3A_463 = tpu.memref_slice %arg7[%dma_start3A_459, %dma_start3A_461, %dma_start3A_462] : memref<2x128x64xf32, #tpu.memory_space<vmem>> -> memref<1x128x64xf32, #tpu.memory_space<vmem>>
    %dma_start3A_464 = tpu.memref_squeeze %dma_start3A_463 : memref<1x128x64xf32, #tpu.memory_space<vmem>> -> memref<128x64xf32, #tpu.memory_space<vmem>>
    %dma_start3A_465 = arith.constant 0 : i32
    %dma_start3A_466 = tpu.memref_slice %arg4[%add3A_458, %dma_start3A_465] : memref<65536x64xf32, #tpu.memory_space<hbm>> -> memref<128x64xf32, #tpu.memory_space<hbm>>
    %dma_start3A_467 = tpu.memref_slice %arg9[%dma_start3A_460] : memref<2x!tpu.dma_semaphore, #tpu.memory_space<semaphore_mem>> -> memref<1x!tpu.dma_semaphore, #tpu.memory_space<semaphore_mem>>
    %dma_start3A_468 = tpu.memref_squeeze %dma_start3A_467 : memref<1x!tpu.dma_semaphore, #tpu.memory_space<semaphore_mem>> -> memref<!tpu.dma_semaphore, #tpu.memory_space<semaphore_mem>>
    %dma_start3A_469 = arith.constant 0 : i32
    %dma_start3A_470 = tpu.memref_slice %arg4[%add3A_458, %dma_start3A_469] : memref<65536x64xf32, #tpu.memory_space<hbm>> -> memref<128x64xf32, #tpu.memory_space<hbm>>
    %dma_start3A_471 = arith.constant 0 : i32
    %dma_start3A_472 = arith.constant 0 : i32
    %dma_start3A_473 = tpu.memref_slice %arg7[%dma_start3A_459, %dma_start3A_471, %dma_start3A_472] : memref<2x128x64xf32, #tpu.memory_space<vmem>> -> memref<1x128x64xf32, #tpu.memory_space<vmem>>
    %dma_start3A_474 = tpu.memref_squeeze %dma_start3A_473 : memref<1x128x64xf32, #tpu.memory_space<vmem>> -> memref<128x64xf32, #tpu.memory_space<vmem>>
    tpu.enqueue_dma source(%dma_start3A_474 : memref<128x64xf32, #tpu.memory_space<vmem>>) target(%dma_start3A_470 : memref<128x64xf32, #tpu.memory_space<hbm>>) target_semaphore(%dma_start3A_468 : memref<!tpu.dma_semaphore, #tpu.memory_space<semaphore_mem>>)
    %dma_wait3A_475 = arith.constant 1 : i32
    %dma_wait3A_476 = arith.constant 1 : i32
    %dma_wait3A_477 = arith.constant 0 : i32
    %dma_wait3A_478 = arith.constant 0 : i32
    %dma_wait3A_479 = tpu.memref_slice %arg7[%dma_wait3A_475, %dma_wait3A_477, %dma_wait3A_478] : memref<2x128x64xf32, #tpu.memory_space<vmem>> -> memref<1x128x64xf32, #tpu.memory_space<vmem>>
    %dma_wait3A_480 = tpu.memref_squeeze %dma_wait3A_479 : memref<1x128x64xf32, #tpu.memory_space<vmem>> -> memref<128x64xf32, #tpu.memory_space<vmem>>
    %dma_wait3A_481 = arith.constant 0 : i32
    %dma_wait3A_482 = tpu.memref_slice %arg4[%add3A_402, %dma_wait3A_481] : memref<65536x64xf32, #tpu.memory_space<hbm>> -> memref<128x64xf32, #tpu.memory_space<hbm>>
    %dma_wait3A_483 = tpu.memref_slice %arg9[%dma_wait3A_476] : memref<2x!tpu.dma_semaphore, #tpu.memory_space<semaphore_mem>> -> memref<1x!tpu.dma_semaphore, #tpu.memory_space<semaphore_mem>>
    %dma_wait3A_484 = tpu.memref_squeeze %dma_wait3A_483 : memref<1x!tpu.dma_semaphore, #tpu.memory_space<semaphore_mem>> -> memref<!tpu.dma_semaphore, #tpu.memory_space<semaphore_mem>>
    %dma_wait3A_485 = arith.constant 0 : i32
    %dma_wait3A_486 = tpu.memref_slice %arg4[%add3A_402, %dma_wait3A_485] : memref<65536x64xf32, #tpu.memory_space<hbm>> -> memref<128x64xf32, #tpu.memory_space<hbm>>
    %dma_wait3A_487 = arith.constant 0 : i32
    %dma_wait3A_488 = arith.constant 0 : i32
    %dma_wait3A_489 = tpu.memref_slice %arg7[%dma_wait3A_475, %dma_wait3A_487, %dma_wait3A_488] : memref<2x128x64xf32, #tpu.memory_space<vmem>> -> memref<1x128x64xf32, #tpu.memory_space<vmem>>
    %dma_wait3A_490 = tpu.memref_squeeze %dma_wait3A_489 : memref<1x128x64xf32, #tpu.memory_space<vmem>> -> memref<128x64xf32, #tpu.memory_space<vmem>>
    tpu.wait_dma2 semaphore(%dma_wait3A_484 : memref<!tpu.dma_semaphore, #tpu.memory_space<semaphore_mem>>) src(%dma_wait3A_490 : memref<128x64xf32, #tpu.memory_space<vmem>>) dst(%dma_wait3A_486 : memref<128x64xf32, #tpu.memory_space<hbm>>)
    %dma_start3A_491 = arith.constant 1 : i32
    %dma_start3A_492 = arith.constant 0 : i32
    %dma_start3A_493 = arith.constant 0 : i32
    %dma_start3A_494 = tpu.memref_slice %arg7[%dma_start3A_491, %dma_start3A_492, %dma_start3A_493] : memref<2x128x64xf32, #tpu.memory_space<vmem>> -> memref<1x128x64xf32, #tpu.memory_space<vmem>>
    %dma_start3A_495 = tpu.memref_squeeze %dma_start3A_494 : memref<1x128x64xf32, #tpu.memory_space<vmem>> -> memref<128x64xf32, #tpu.memory_space<vmem>>
    %dma_start3A_496 = arith.constant 1152 : i32
    %dma_start3A_497 = tpu.memref_slice %arg5[%dma_start3A_496] : memref<2048xi32, #tpu.memory_space<vmem>> -> memref<128xi32, #tpu.memory_space<vmem>>
    %dma_start3A_498 = arith.constant 0 : i32
    %dma_start3A_499 = arith.constant 0 : i32
    %dma_start3A_500 = tpu.memref_slice %arg6[%dma_start3A_498, %dma_start3A_499] : memref<512x64xf32, #tpu.memory_space<vmem_shared>> -> memref<512x64xf32, #tpu.memory_space<vmem_shared>>
    tpu.enqueue_indirect_dma source(%dma_start3A_500 : memref<512x64xf32, #tpu.memory_space<vmem_shared>>) target(%dma_start3A_495 : memref<128x64xf32, #tpu.memory_space<vmem>>) offsets(%dma_start3A_497 : memref<128xi32, #tpu.memory_space<vmem>>) semaphore(%arg8 : memref<!tpu.dma_semaphore, #tpu.memory_space<semaphore_mem>>)
    %dma_wait3A_501 = arith.constant 1 : i32
    %dma_wait3A_502 = arith.constant 0 : i32
    %dma_wait3A_503 = arith.constant 0 : i32
    %dma_wait3A_504 = tpu.memref_slice %arg7[%dma_wait3A_501, %dma_wait3A_502, %dma_wait3A_503] : memref<2x128x64xf32, #tpu.memory_space<vmem>> -> memref<1x128x64xf32, #tpu.memory_space<vmem>>
    %dma_wait3A_505 = tpu.memref_squeeze %dma_wait3A_504 : memref<1x128x64xf32, #tpu.memory_space<vmem>> -> memref<128x64xf32, #tpu.memory_space<vmem>>
    %dma_wait3A_506 = arith.constant 1152 : i32
    %dma_wait3A_507 = tpu.memref_slice %arg5[%dma_wait3A_506] : memref<2048xi32, #tpu.memory_space<vmem>> -> memref<128xi32, #tpu.memory_space<vmem>>
    %dma_wait3A_508 = arith.constant 0 : i32
    %dma_wait3A_509 = arith.constant 0 : i32
    %dma_wait3A_510 = tpu.memref_slice %arg6[%dma_wait3A_508, %dma_wait3A_509] : memref<512x64xf32, #tpu.memory_space<vmem_shared>> -> memref<512x64xf32, #tpu.memory_space<vmem_shared>>
    tpu.wait_indirect_dma semaphore(%arg8 : memref<!tpu.dma_semaphore, #tpu.memory_space<semaphore_mem>>) src(%dma_wait3A_510 : memref<512x64xf32, #tpu.memory_space<vmem_shared>>) dst(%dma_wait3A_505 : memref<128x64xf32, #tpu.memory_space<vmem>>)
    %mul3A_511 = arith.constant 2048 : i32
    %mul3A_512 = arith.muli %add3A, %mul3A_511 : i32
    %add3A_513 = arith.constant 1152 : i32
    %add3A_514 = arith.addi %mul3A_512, %add3A_513 : i32
    %dma_start3A_515 = arith.constant 1 : i32
    %dma_start3A_516 = arith.constant 1 : i32
    %dma_start3A_517 = arith.constant 0 : i32
    %dma_start3A_518 = arith.constant 0 : i32
    %dma_start3A_519 = tpu.memref_slice %arg7[%dma_start3A_515, %dma_start3A_517, %dma_start3A_518] : memref<2x128x64xf32, #tpu.memory_space<vmem>> -> memref<1x128x64xf32, #tpu.memory_space<vmem>>
    %dma_start3A_520 = tpu.memref_squeeze %dma_start3A_519 : memref<1x128x64xf32, #tpu.memory_space<vmem>> -> memref<128x64xf32, #tpu.memory_space<vmem>>
    %dma_start3A_521 = arith.constant 0 : i32
    %dma_start3A_522 = tpu.memref_slice %arg4[%add3A_514, %dma_start3A_521] : memref<65536x64xf32, #tpu.memory_space<hbm>> -> memref<128x64xf32, #tpu.memory_space<hbm>>
    %dma_start3A_523 = tpu.memref_slice %arg9[%dma_start3A_516] : memref<2x!tpu.dma_semaphore, #tpu.memory_space<semaphore_mem>> -> memref<1x!tpu.dma_semaphore, #tpu.memory_space<semaphore_mem>>
    %dma_start3A_524 = tpu.memref_squeeze %dma_start3A_523 : memref<1x!tpu.dma_semaphore, #tpu.memory_space<semaphore_mem>> -> memref<!tpu.dma_semaphore, #tpu.memory_space<semaphore_mem>>
    %dma_start3A_525 = arith.constant 0 : i32
    %dma_start3A_526 = tpu.memref_slice %arg4[%add3A_514, %dma_start3A_525] : memref<65536x64xf32, #tpu.memory_space<hbm>> -> memref<128x64xf32, #tpu.memory_space<hbm>>
    %dma_start3A_527 = arith.constant 0 : i32
    %dma_start3A_528 = arith.constant 0 : i32
    %dma_start3A_529 = tpu.memref_slice %arg7[%dma_start3A_515, %dma_start3A_527, %dma_start3A_528] : memref<2x128x64xf32, #tpu.memory_space<vmem>> -> memref<1x128x64xf32, #tpu.memory_space<vmem>>
    %dma_start3A_530 = tpu.memref_squeeze %dma_start3A_529 : memref<1x128x64xf32, #tpu.memory_space<vmem>> -> memref<128x64xf32, #tpu.memory_space<vmem>>
    tpu.enqueue_dma source(%dma_start3A_530 : memref<128x64xf32, #tpu.memory_space<vmem>>) target(%dma_start3A_526 : memref<128x64xf32, #tpu.memory_space<hbm>>) target_semaphore(%dma_start3A_524 : memref<!tpu.dma_semaphore, #tpu.memory_space<semaphore_mem>>)
    %dma_wait3A_531 = arith.constant 0 : i32
    %dma_wait3A_532 = arith.constant 0 : i32
    %dma_wait3A_533 = arith.constant 0 : i32
    %dma_wait3A_534 = arith.constant 0 : i32
    %dma_wait3A_535 = tpu.memref_slice %arg7[%dma_wait3A_531, %dma_wait3A_533, %dma_wait3A_534] : memref<2x128x64xf32, #tpu.memory_space<vmem>> -> memref<1x128x64xf32, #tpu.memory_space<vmem>>
    %dma_wait3A_536 = tpu.memref_squeeze %dma_wait3A_535 : memref<1x128x64xf32, #tpu.memory_space<vmem>> -> memref<128x64xf32, #tpu.memory_space<vmem>>
    %dma_wait3A_537 = arith.constant 0 : i32
    %dma_wait3A_538 = tpu.memref_slice %arg4[%add3A_458, %dma_wait3A_537] : memref<65536x64xf32, #tpu.memory_space<hbm>> -> memref<128x64xf32, #tpu.memory_space<hbm>>
    %dma_wait3A_539 = tpu.memref_slice %arg9[%dma_wait3A_532] : memref<2x!tpu.dma_semaphore, #tpu.memory_space<semaphore_mem>> -> memref<1x!tpu.dma_semaphore, #tpu.memory_space<semaphore_mem>>
    %dma_wait3A_540 = tpu.memref_squeeze %dma_wait3A_539 : memref<1x!tpu.dma_semaphore, #tpu.memory_space<semaphore_mem>> -> memref<!tpu.dma_semaphore, #tpu.memory_space<semaphore_mem>>
    %dma_wait3A_541 = arith.constant 0 : i32
    %dma_wait3A_542 = tpu.memref_slice %arg4[%add3A_458, %dma_wait3A_541] : memref<65536x64xf32, #tpu.memory_space<hbm>> -> memref<128x64xf32, #tpu.memory_space<hbm>>
    %dma_wait3A_543 = arith.constant 0 : i32
    %dma_wait3A_544 = arith.constant 0 : i32
    %dma_wait3A_545 = tpu.memref_slice %arg7[%dma_wait3A_531, %dma_wait3A_543, %dma_wait3A_544] : memref<2x128x64xf32, #tpu.memory_space<vmem>> -> memref<1x128x64xf32, #tpu.memory_space<vmem>>
    %dma_wait3A_546 = tpu.memref_squeeze %dma_wait3A_545 : memref<1x128x64xf32, #tpu.memory_space<vmem>> -> memref<128x64xf32, #tpu.memory_space<vmem>>
    tpu.wait_dma2 semaphore(%dma_wait3A_540 : memref<!tpu.dma_semaphore, #tpu.memory_space<semaphore_mem>>) src(%dma_wait3A_546 : memref<128x64xf32, #tpu.memory_space<vmem>>) dst(%dma_wait3A_542 : memref<128x64xf32, #tpu.memory_space<hbm>>)
    %dma_start3A_547 = arith.constant 0 : i32
    %dma_start3A_548 = arith.constant 0 : i32
    %dma_start3A_549 = arith.constant 0 : i32
    %dma_start3A_550 = tpu.memref_slice %arg7[%dma_start3A_547, %dma_start3A_548, %dma_start3A_549] : memref<2x128x64xf32, #tpu.memory_space<vmem>> -> memref<1x128x64xf32, #tpu.memory_space<vmem>>
    %dma_start3A_551 = tpu.memref_squeeze %dma_start3A_550 : memref<1x128x64xf32, #tpu.memory_space<vmem>> -> memref<128x64xf32, #tpu.memory_space<vmem>>
    %dma_start3A_552 = arith.constant 1280 : i32
    %dma_start3A_553 = tpu.memref_slice %arg5[%dma_start3A_552] : memref<2048xi32, #tpu.memory_space<vmem>> -> memref<128xi32, #tpu.memory_space<vmem>>
    %dma_start3A_554 = arith.constant 0 : i32
    %dma_start3A_555 = arith.constant 0 : i32
    %dma_start3A_556 = tpu.memref_slice %arg6[%dma_start3A_554, %dma_start3A_555] : memref<512x64xf32, #tpu.memory_space<vmem_shared>> -> memref<512x64xf32, #tpu.memory_space<vmem_shared>>
    tpu.enqueue_indirect_dma source(%dma_start3A_556 : memref<512x64xf32, #tpu.memory_space<vmem_shared>>) target(%dma_start3A_551 : memref<128x64xf32, #tpu.memory_space<vmem>>) offsets(%dma_start3A_553 : memref<128xi32, #tpu.memory_space<vmem>>) semaphore(%arg8 : memref<!tpu.dma_semaphore, #tpu.memory_space<semaphore_mem>>)
    %dma_wait3A_557 = arith.constant 0 : i32
    %dma_wait3A_558 = arith.constant 0 : i32
    %dma_wait3A_559 = arith.constant 0 : i32
    %dma_wait3A_560 = tpu.memref_slice %arg7[%dma_wait3A_557, %dma_wait3A_558, %dma_wait3A_559] : memref<2x128x64xf32, #tpu.memory_space<vmem>> -> memref<1x128x64xf32, #tpu.memory_space<vmem>>
    %dma_wait3A_561 = tpu.memref_squeeze %dma_wait3A_560 : memref<1x128x64xf32, #tpu.memory_space<vmem>> -> memref<128x64xf32, #tpu.memory_space<vmem>>
    %dma_wait3A_562 = arith.constant 1280 : i32
    %dma_wait3A_563 = tpu.memref_slice %arg5[%dma_wait3A_562] : memref<2048xi32, #tpu.memory_space<vmem>> -> memref<128xi32, #tpu.memory_space<vmem>>
    %dma_wait3A_564 = arith.constant 0 : i32
    %dma_wait3A_565 = arith.constant 0 : i32
    %dma_wait3A_566 = tpu.memref_slice %arg6[%dma_wait3A_564, %dma_wait3A_565] : memref<512x64xf32, #tpu.memory_space<vmem_shared>> -> memref<512x64xf32, #tpu.memory_space<vmem_shared>>
    tpu.wait_indirect_dma semaphore(%arg8 : memref<!tpu.dma_semaphore, #tpu.memory_space<semaphore_mem>>) src(%dma_wait3A_566 : memref<512x64xf32, #tpu.memory_space<vmem_shared>>) dst(%dma_wait3A_561 : memref<128x64xf32, #tpu.memory_space<vmem>>)
    %mul3A_567 = arith.constant 2048 : i32
    %mul3A_568 = arith.muli %add3A, %mul3A_567 : i32
    %add3A_569 = arith.constant 1280 : i32
    %add3A_570 = arith.addi %mul3A_568, %add3A_569 : i32
    %dma_start3A_571 = arith.constant 0 : i32
    %dma_start3A_572 = arith.constant 0 : i32
    %dma_start3A_573 = arith.constant 0 : i32
    %dma_start3A_574 = arith.constant 0 : i32
    %dma_start3A_575 = tpu.memref_slice %arg7[%dma_start3A_571, %dma_start3A_573, %dma_start3A_574] : memref<2x128x64xf32, #tpu.memory_space<vmem>> -> memref<1x128x64xf32, #tpu.memory_space<vmem>>
    %dma_start3A_576 = tpu.memref_squeeze %dma_start3A_575 : memref<1x128x64xf32, #tpu.memory_space<vmem>> -> memref<128x64xf32, #tpu.memory_space<vmem>>
    %dma_start3A_577 = arith.constant 0 : i32
    %dma_start3A_578 = tpu.memref_slice %arg4[%add3A_570, %dma_start3A_577] : memref<65536x64xf32, #tpu.memory_space<hbm>> -> memref<128x64xf32, #tpu.memory_space<hbm>>
    %dma_start3A_579 = tpu.memref_slice %arg9[%dma_start3A_572] : memref<2x!tpu.dma_semaphore, #tpu.memory_space<semaphore_mem>> -> memref<1x!tpu.dma_semaphore, #tpu.memory_space<semaphore_mem>>
    %dma_start3A_580 = tpu.memref_squeeze %dma_start3A_579 : memref<1x!tpu.dma_semaphore, #tpu.memory_space<semaphore_mem>> -> memref<!tpu.dma_semaphore, #tpu.memory_space<semaphore_mem>>
    %dma_start3A_581 = arith.constant 0 : i32
    %dma_start3A_582 = tpu.memref_slice %arg4[%add3A_570, %dma_start3A_581] : memref<65536x64xf32, #tpu.memory_space<hbm>> -> memref<128x64xf32, #tpu.memory_space<hbm>>
    %dma_start3A_583 = arith.constant 0 : i32
    %dma_start3A_584 = arith.constant 0 : i32
    %dma_start3A_585 = tpu.memref_slice %arg7[%dma_start3A_571, %dma_start3A_583, %dma_start3A_584] : memref<2x128x64xf32, #tpu.memory_space<vmem>> -> memref<1x128x64xf32, #tpu.memory_space<vmem>>
    %dma_start3A_586 = tpu.memref_squeeze %dma_start3A_585 : memref<1x128x64xf32, #tpu.memory_space<vmem>> -> memref<128x64xf32, #tpu.memory_space<vmem>>
    tpu.enqueue_dma source(%dma_start3A_586 : memref<128x64xf32, #tpu.memory_space<vmem>>) target(%dma_start3A_582 : memref<128x64xf32, #tpu.memory_space<hbm>>) target_semaphore(%dma_start3A_580 : memref<!tpu.dma_semaphore, #tpu.memory_space<semaphore_mem>>)
    %dma_wait3A_587 = arith.constant 1 : i32
    %dma_wait3A_588 = arith.constant 1 : i32
    %dma_wait3A_589 = arith.constant 0 : i32
    %dma_wait3A_590 = arith.constant 0 : i32
    %dma_wait3A_591 = tpu.memref_slice %arg7[%dma_wait3A_587, %dma_wait3A_589, %dma_wait3A_590] : memref<2x128x64xf32, #tpu.memory_space<vmem>> -> memref<1x128x64xf32, #tpu.memory_space<vmem>>
    %dma_wait3A_592 = tpu.memref_squeeze %dma_wait3A_591 : memref<1x128x64xf32, #tpu.memory_space<vmem>> -> memref<128x64xf32, #tpu.memory_space<vmem>>
    %dma_wait3A_593 = arith.constant 0 : i32
    %dma_wait3A_594 = tpu.memref_slice %arg4[%add3A_514, %dma_wait3A_593] : memref<65536x64xf32, #tpu.memory_space<hbm>> -> memref<128x64xf32, #tpu.memory_space<hbm>>
    %dma_wait3A_595 = tpu.memref_slice %arg9[%dma_wait3A_588] : memref<2x!tpu.dma_semaphore, #tpu.memory_space<semaphore_mem>> -> memref<1x!tpu.dma_semaphore, #tpu.memory_space<semaphore_mem>>
    %dma_wait3A_596 = tpu.memref_squeeze %dma_wait3A_595 : memref<1x!tpu.dma_semaphore, #tpu.memory_space<semaphore_mem>> -> memref<!tpu.dma_semaphore, #tpu.memory_space<semaphore_mem>>
    %dma_wait3A_597 = arith.constant 0 : i32
    %dma_wait3A_598 = tpu.memref_slice %arg4[%add3A_514, %dma_wait3A_597] : memref<65536x64xf32, #tpu.memory_space<hbm>> -> memref<128x64xf32, #tpu.memory_space<hbm>>
    %dma_wait3A_599 = arith.constant 0 : i32
    %dma_wait3A_600 = arith.constant 0 : i32
    %dma_wait3A_601 = tpu.memref_slice %arg7[%dma_wait3A_587, %dma_wait3A_599, %dma_wait3A_600] : memref<2x128x64xf32, #tpu.memory_space<vmem>> -> memref<1x128x64xf32, #tpu.memory_space<vmem>>
    %dma_wait3A_602 = tpu.memref_squeeze %dma_wait3A_601 : memref<1x128x64xf32, #tpu.memory_space<vmem>> -> memref<128x64xf32, #tpu.memory_space<vmem>>
    tpu.wait_dma2 semaphore(%dma_wait3A_596 : memref<!tpu.dma_semaphore, #tpu.memory_space<semaphore_mem>>) src(%dma_wait3A_602 : memref<128x64xf32, #tpu.memory_space<vmem>>) dst(%dma_wait3A_598 : memref<128x64xf32, #tpu.memory_space<hbm>>)
    %dma_start3A_603 = arith.constant 1 : i32
    %dma_start3A_604 = arith.constant 0 : i32
    %dma_start3A_605 = arith.constant 0 : i32
    %dma_start3A_606 = tpu.memref_slice %arg7[%dma_start3A_603, %dma_start3A_604, %dma_start3A_605] : memref<2x128x64xf32, #tpu.memory_space<vmem>> -> memref<1x128x64xf32, #tpu.memory_space<vmem>>
    %dma_start3A_607 = tpu.memref_squeeze %dma_start3A_606 : memref<1x128x64xf32, #tpu.memory_space<vmem>> -> memref<128x64xf32, #tpu.memory_space<vmem>>
    %dma_start3A_608 = arith.constant 1408 : i32
    %dma_start3A_609 = tpu.memref_slice %arg5[%dma_start3A_608] : memref<2048xi32, #tpu.memory_space<vmem>> -> memref<128xi32, #tpu.memory_space<vmem>>
    %dma_start3A_610 = arith.constant 0 : i32
    %dma_start3A_611 = arith.constant 0 : i32
    %dma_start3A_612 = tpu.memref_slice %arg6[%dma_start3A_610, %dma_start3A_611] : memref<512x64xf32, #tpu.memory_space<vmem_shared>> -> memref<512x64xf32, #tpu.memory_space<vmem_shared>>
    tpu.enqueue_indirect_dma source(%dma_start3A_612 : memref<512x64xf32, #tpu.memory_space<vmem_shared>>) target(%dma_start3A_607 : memref<128x64xf32, #tpu.memory_space<vmem>>) offsets(%dma_start3A_609 : memref<128xi32, #tpu.memory_space<vmem>>) semaphore(%arg8 : memref<!tpu.dma_semaphore, #tpu.memory_space<semaphore_mem>>)
    %dma_wait3A_613 = arith.constant 1 : i32
    %dma_wait3A_614 = arith.constant 0 : i32
    %dma_wait3A_615 = arith.constant 0 : i32
    %dma_wait3A_616 = tpu.memref_slice %arg7[%dma_wait3A_613, %dma_wait3A_614, %dma_wait3A_615] : memref<2x128x64xf32, #tpu.memory_space<vmem>> -> memref<1x128x64xf32, #tpu.memory_space<vmem>>
    %dma_wait3A_617 = tpu.memref_squeeze %dma_wait3A_616 : memref<1x128x64xf32, #tpu.memory_space<vmem>> -> memref<128x64xf32, #tpu.memory_space<vmem>>
    %dma_wait3A_618 = arith.constant 1408 : i32
    %dma_wait3A_619 = tpu.memref_slice %arg5[%dma_wait3A_618] : memref<2048xi32, #tpu.memory_space<vmem>> -> memref<128xi32, #tpu.memory_space<vmem>>
    %dma_wait3A_620 = arith.constant 0 : i32
    %dma_wait3A_621 = arith.constant 0 : i32
    %dma_wait3A_622 = tpu.memref_slice %arg6[%dma_wait3A_620, %dma_wait3A_621] : memref<512x64xf32, #tpu.memory_space<vmem_shared>> -> memref<512x64xf32, #tpu.memory_space<vmem_shared>>
    tpu.wait_indirect_dma semaphore(%arg8 : memref<!tpu.dma_semaphore, #tpu.memory_space<semaphore_mem>>) src(%dma_wait3A_622 : memref<512x64xf32, #tpu.memory_space<vmem_shared>>) dst(%dma_wait3A_617 : memref<128x64xf32, #tpu.memory_space<vmem>>)
    %mul3A_623 = arith.constant 2048 : i32
    %mul3A_624 = arith.muli %add3A, %mul3A_623 : i32
    %add3A_625 = arith.constant 1408 : i32
    %add3A_626 = arith.addi %mul3A_624, %add3A_625 : i32
    %dma_start3A_627 = arith.constant 1 : i32
    %dma_start3A_628 = arith.constant 1 : i32
    %dma_start3A_629 = arith.constant 0 : i32
    %dma_start3A_630 = arith.constant 0 : i32
    %dma_start3A_631 = tpu.memref_slice %arg7[%dma_start3A_627, %dma_start3A_629, %dma_start3A_630] : memref<2x128x64xf32, #tpu.memory_space<vmem>> -> memref<1x128x64xf32, #tpu.memory_space<vmem>>
    %dma_start3A_632 = tpu.memref_squeeze %dma_start3A_631 : memref<1x128x64xf32, #tpu.memory_space<vmem>> -> memref<128x64xf32, #tpu.memory_space<vmem>>
    %dma_start3A_633 = arith.constant 0 : i32
    %dma_start3A_634 = tpu.memref_slice %arg4[%add3A_626, %dma_start3A_633] : memref<65536x64xf32, #tpu.memory_space<hbm>> -> memref<128x64xf32, #tpu.memory_space<hbm>>
    %dma_start3A_635 = tpu.memref_slice %arg9[%dma_start3A_628] : memref<2x!tpu.dma_semaphore, #tpu.memory_space<semaphore_mem>> -> memref<1x!tpu.dma_semaphore, #tpu.memory_space<semaphore_mem>>
    %dma_start3A_636 = tpu.memref_squeeze %dma_start3A_635 : memref<1x!tpu.dma_semaphore, #tpu.memory_space<semaphore_mem>> -> memref<!tpu.dma_semaphore, #tpu.memory_space<semaphore_mem>>
    %dma_start3A_637 = arith.constant 0 : i32
    %dma_start3A_638 = tpu.memref_slice %arg4[%add3A_626, %dma_start3A_637] : memref<65536x64xf32, #tpu.memory_space<hbm>> -> memref<128x64xf32, #tpu.memory_space<hbm>>
    %dma_start3A_639 = arith.constant 0 : i32
    %dma_start3A_640 = arith.constant 0 : i32
    %dma_start3A_641 = tpu.memref_slice %arg7[%dma_start3A_627, %dma_start3A_639, %dma_start3A_640] : memref<2x128x64xf32, #tpu.memory_space<vmem>> -> memref<1x128x64xf32, #tpu.memory_space<vmem>>
    %dma_start3A_642 = tpu.memref_squeeze %dma_start3A_641 : memref<1x128x64xf32, #tpu.memory_space<vmem>> -> memref<128x64xf32, #tpu.memory_space<vmem>>
    tpu.enqueue_dma source(%dma_start3A_642 : memref<128x64xf32, #tpu.memory_space<vmem>>) target(%dma_start3A_638 : memref<128x64xf32, #tpu.memory_space<hbm>>) target_semaphore(%dma_start3A_636 : memref<!tpu.dma_semaphore, #tpu.memory_space<semaphore_mem>>)
    %dma_wait3A_643 = arith.constant 0 : i32
    %dma_wait3A_644 = arith.constant 0 : i32
    %dma_wait3A_645 = arith.constant 0 : i32
    %dma_wait3A_646 = arith.constant 0 : i32
    %dma_wait3A_647 = tpu.memref_slice %arg7[%dma_wait3A_643, %dma_wait3A_645, %dma_wait3A_646] : memref<2x128x64xf32, #tpu.memory_space<vmem>> -> memref<1x128x64xf32, #tpu.memory_space<vmem>>
    %dma_wait3A_648 = tpu.memref_squeeze %dma_wait3A_647 : memref<1x128x64xf32, #tpu.memory_space<vmem>> -> memref<128x64xf32, #tpu.memory_space<vmem>>
    %dma_wait3A_649 = arith.constant 0 : i32
    %dma_wait3A_650 = tpu.memref_slice %arg4[%add3A_570, %dma_wait3A_649] : memref<65536x64xf32, #tpu.memory_space<hbm>> -> memref<128x64xf32, #tpu.memory_space<hbm>>
    %dma_wait3A_651 = tpu.memref_slice %arg9[%dma_wait3A_644] : memref<2x!tpu.dma_semaphore, #tpu.memory_space<semaphore_mem>> -> memref<1x!tpu.dma_semaphore, #tpu.memory_space<semaphore_mem>>
    %dma_wait3A_652 = tpu.memref_squeeze %dma_wait3A_651 : memref<1x!tpu.dma_semaphore, #tpu.memory_space<semaphore_mem>> -> memref<!tpu.dma_semaphore, #tpu.memory_space<semaphore_mem>>
    %dma_wait3A_653 = arith.constant 0 : i32
    %dma_wait3A_654 = tpu.memref_slice %arg4[%add3A_570, %dma_wait3A_653] : memref<65536x64xf32, #tpu.memory_space<hbm>> -> memref<128x64xf32, #tpu.memory_space<hbm>>
    %dma_wait3A_655 = arith.constant 0 : i32
    %dma_wait3A_656 = arith.constant 0 : i32
    %dma_wait3A_657 = tpu.memref_slice %arg7[%dma_wait3A_643, %dma_wait3A_655, %dma_wait3A_656] : memref<2x128x64xf32, #tpu.memory_space<vmem>> -> memref<1x128x64xf32, #tpu.memory_space<vmem>>
    %dma_wait3A_658 = tpu.memref_squeeze %dma_wait3A_657 : memref<1x128x64xf32, #tpu.memory_space<vmem>> -> memref<128x64xf32, #tpu.memory_space<vmem>>
    tpu.wait_dma2 semaphore(%dma_wait3A_652 : memref<!tpu.dma_semaphore, #tpu.memory_space<semaphore_mem>>) src(%dma_wait3A_658 : memref<128x64xf32, #tpu.memory_space<vmem>>) dst(%dma_wait3A_654 : memref<128x64xf32, #tpu.memory_space<hbm>>)
    %dma_start3A_659 = arith.constant 0 : i32
    %dma_start3A_660 = arith.constant 0 : i32
    %dma_start3A_661 = arith.constant 0 : i32
    %dma_start3A_662 = tpu.memref_slice %arg7[%dma_start3A_659, %dma_start3A_660, %dma_start3A_661] : memref<2x128x64xf32, #tpu.memory_space<vmem>> -> memref<1x128x64xf32, #tpu.memory_space<vmem>>
    %dma_start3A_663 = tpu.memref_squeeze %dma_start3A_662 : memref<1x128x64xf32, #tpu.memory_space<vmem>> -> memref<128x64xf32, #tpu.memory_space<vmem>>
    %dma_start3A_664 = arith.constant 1536 : i32
    %dma_start3A_665 = tpu.memref_slice %arg5[%dma_start3A_664] : memref<2048xi32, #tpu.memory_space<vmem>> -> memref<128xi32, #tpu.memory_space<vmem>>
    %dma_start3A_666 = arith.constant 0 : i32
    %dma_start3A_667 = arith.constant 0 : i32
    %dma_start3A_668 = tpu.memref_slice %arg6[%dma_start3A_666, %dma_start3A_667] : memref<512x64xf32, #tpu.memory_space<vmem_shared>> -> memref<512x64xf32, #tpu.memory_space<vmem_shared>>
    tpu.enqueue_indirect_dma source(%dma_start3A_668 : memref<512x64xf32, #tpu.memory_space<vmem_shared>>) target(%dma_start3A_663 : memref<128x64xf32, #tpu.memory_space<vmem>>) offsets(%dma_start3A_665 : memref<128xi32, #tpu.memory_space<vmem>>) semaphore(%arg8 : memref<!tpu.dma_semaphore, #tpu.memory_space<semaphore_mem>>)
    %dma_wait3A_669 = arith.constant 0 : i32
    %dma_wait3A_670 = arith.constant 0 : i32
    %dma_wait3A_671 = arith.constant 0 : i32
    %dma_wait3A_672 = tpu.memref_slice %arg7[%dma_wait3A_669, %dma_wait3A_670, %dma_wait3A_671] : memref<2x128x64xf32, #tpu.memory_space<vmem>> -> memref<1x128x64xf32, #tpu.memory_space<vmem>>
    %dma_wait3A_673 = tpu.memref_squeeze %dma_wait3A_672 : memref<1x128x64xf32, #tpu.memory_space<vmem>> -> memref<128x64xf32, #tpu.memory_space<vmem>>
    %dma_wait3A_674 = arith.constant 1536 : i32
    %dma_wait3A_675 = tpu.memref_slice %arg5[%dma_wait3A_674] : memref<2048xi32, #tpu.memory_space<vmem>> -> memref<128xi32, #tpu.memory_space<vmem>>
    %dma_wait3A_676 = arith.constant 0 : i32
    %dma_wait3A_677 = arith.constant 0 : i32
    %dma_wait3A_678 = tpu.memref_slice %arg6[%dma_wait3A_676, %dma_wait3A_677] : memref<512x64xf32, #tpu.memory_space<vmem_shared>> -> memref<512x64xf32, #tpu.memory_space<vmem_shared>>
    tpu.wait_indirect_dma semaphore(%arg8 : memref<!tpu.dma_semaphore, #tpu.memory_space<semaphore_mem>>) src(%dma_wait3A_678 : memref<512x64xf32, #tpu.memory_space<vmem_shared>>) dst(%dma_wait3A_673 : memref<128x64xf32, #tpu.memory_space<vmem>>)
    %mul3A_679 = arith.constant 2048 : i32
    %mul3A_680 = arith.muli %add3A, %mul3A_679 : i32
    %add3A_681 = arith.constant 1536 : i32
    %add3A_682 = arith.addi %mul3A_680, %add3A_681 : i32
    %dma_start3A_683 = arith.constant 0 : i32
    %dma_start3A_684 = arith.constant 0 : i32
    %dma_start3A_685 = arith.constant 0 : i32
    %dma_start3A_686 = arith.constant 0 : i32
    %dma_start3A_687 = tpu.memref_slice %arg7[%dma_start3A_683, %dma_start3A_685, %dma_start3A_686] : memref<2x128x64xf32, #tpu.memory_space<vmem>> -> memref<1x128x64xf32, #tpu.memory_space<vmem>>
    %dma_start3A_688 = tpu.memref_squeeze %dma_start3A_687 : memref<1x128x64xf32, #tpu.memory_space<vmem>> -> memref<128x64xf32, #tpu.memory_space<vmem>>
    %dma_start3A_689 = arith.constant 0 : i32
    %dma_start3A_690 = tpu.memref_slice %arg4[%add3A_682, %dma_start3A_689] : memref<65536x64xf32, #tpu.memory_space<hbm>> -> memref<128x64xf32, #tpu.memory_space<hbm>>
    %dma_start3A_691 = tpu.memref_slice %arg9[%dma_start3A_684] : memref<2x!tpu.dma_semaphore, #tpu.memory_space<semaphore_mem>> -> memref<1x!tpu.dma_semaphore, #tpu.memory_space<semaphore_mem>>
    %dma_start3A_692 = tpu.memref_squeeze %dma_start3A_691 : memref<1x!tpu.dma_semaphore, #tpu.memory_space<semaphore_mem>> -> memref<!tpu.dma_semaphore, #tpu.memory_space<semaphore_mem>>
    %dma_start3A_693 = arith.constant 0 : i32
    %dma_start3A_694 = tpu.memref_slice %arg4[%add3A_682, %dma_start3A_693] : memref<65536x64xf32, #tpu.memory_space<hbm>> -> memref<128x64xf32, #tpu.memory_space<hbm>>
    %dma_start3A_695 = arith.constant 0 : i32
    %dma_start3A_696 = arith.constant 0 : i32
    %dma_start3A_697 = tpu.memref_slice %arg7[%dma_start3A_683, %dma_start3A_695, %dma_start3A_696] : memref<2x128x64xf32, #tpu.memory_space<vmem>> -> memref<1x128x64xf32, #tpu.memory_space<vmem>>
    %dma_start3A_698 = tpu.memref_squeeze %dma_start3A_697 : memref<1x128x64xf32, #tpu.memory_space<vmem>> -> memref<128x64xf32, #tpu.memory_space<vmem>>
    tpu.enqueue_dma source(%dma_start3A_698 : memref<128x64xf32, #tpu.memory_space<vmem>>) target(%dma_start3A_694 : memref<128x64xf32, #tpu.memory_space<hbm>>) target_semaphore(%dma_start3A_692 : memref<!tpu.dma_semaphore, #tpu.memory_space<semaphore_mem>>)
    %dma_wait3A_699 = arith.constant 1 : i32
    %dma_wait3A_700 = arith.constant 1 : i32
    %dma_wait3A_701 = arith.constant 0 : i32
    %dma_wait3A_702 = arith.constant 0 : i32
    %dma_wait3A_703 = tpu.memref_slice %arg7[%dma_wait3A_699, %dma_wait3A_701, %dma_wait3A_702] : memref<2x128x64xf32, #tpu.memory_space<vmem>> -> memref<1x128x64xf32, #tpu.memory_space<vmem>>
    %dma_wait3A_704 = tpu.memref_squeeze %dma_wait3A_703 : memref<1x128x64xf32, #tpu.memory_space<vmem>> -> memref<128x64xf32, #tpu.memory_space<vmem>>
    %dma_wait3A_705 = arith.constant 0 : i32
    %dma_wait3A_706 = tpu.memref_slice %arg4[%add3A_626, %dma_wait3A_705] : memref<65536x64xf32, #tpu.memory_space<hbm>> -> memref<128x64xf32, #tpu.memory_space<hbm>>
    %dma_wait3A_707 = tpu.memref_slice %arg9[%dma_wait3A_700] : memref<2x!tpu.dma_semaphore, #tpu.memory_space<semaphore_mem>> -> memref<1x!tpu.dma_semaphore, #tpu.memory_space<semaphore_mem>>
    %dma_wait3A_708 = tpu.memref_squeeze %dma_wait3A_707 : memref<1x!tpu.dma_semaphore, #tpu.memory_space<semaphore_mem>> -> memref<!tpu.dma_semaphore, #tpu.memory_space<semaphore_mem>>
    %dma_wait3A_709 = arith.constant 0 : i32
    %dma_wait3A_710 = tpu.memref_slice %arg4[%add3A_626, %dma_wait3A_709] : memref<65536x64xf32, #tpu.memory_space<hbm>> -> memref<128x64xf32, #tpu.memory_space<hbm>>
    %dma_wait3A_711 = arith.constant 0 : i32
    %dma_wait3A_712 = arith.constant 0 : i32
    %dma_wait3A_713 = tpu.memref_slice %arg7[%dma_wait3A_699, %dma_wait3A_711, %dma_wait3A_712] : memref<2x128x64xf32, #tpu.memory_space<vmem>> -> memref<1x128x64xf32, #tpu.memory_space<vmem>>
    %dma_wait3A_714 = tpu.memref_squeeze %dma_wait3A_713 : memref<1x128x64xf32, #tpu.memory_space<vmem>> -> memref<128x64xf32, #tpu.memory_space<vmem>>
    tpu.wait_dma2 semaphore(%dma_wait3A_708 : memref<!tpu.dma_semaphore, #tpu.memory_space<semaphore_mem>>) src(%dma_wait3A_714 : memref<128x64xf32, #tpu.memory_space<vmem>>) dst(%dma_wait3A_710 : memref<128x64xf32, #tpu.memory_space<hbm>>)
    %dma_start3A_715 = arith.constant 1 : i32
    %dma_start3A_716 = arith.constant 0 : i32
    %dma_start3A_717 = arith.constant 0 : i32
    %dma_start3A_718 = tpu.memref_slice %arg7[%dma_start3A_715, %dma_start3A_716, %dma_start3A_717] : memref<2x128x64xf32, #tpu.memory_space<vmem>> -> memref<1x128x64xf32, #tpu.memory_space<vmem>>
    %dma_start3A_719 = tpu.memref_squeeze %dma_start3A_718 : memref<1x128x64xf32, #tpu.memory_space<vmem>> -> memref<128x64xf32, #tpu.memory_space<vmem>>
    %dma_start3A_720 = arith.constant 1664 : i32
    %dma_start3A_721 = tpu.memref_slice %arg5[%dma_start3A_720] : memref<2048xi32, #tpu.memory_space<vmem>> -> memref<128xi32, #tpu.memory_space<vmem>>
    %dma_start3A_722 = arith.constant 0 : i32
    %dma_start3A_723 = arith.constant 0 : i32
    %dma_start3A_724 = tpu.memref_slice %arg6[%dma_start3A_722, %dma_start3A_723] : memref<512x64xf32, #tpu.memory_space<vmem_shared>> -> memref<512x64xf32, #tpu.memory_space<vmem_shared>>
    tpu.enqueue_indirect_dma source(%dma_start3A_724 : memref<512x64xf32, #tpu.memory_space<vmem_shared>>) target(%dma_start3A_719 : memref<128x64xf32, #tpu.memory_space<vmem>>) offsets(%dma_start3A_721 : memref<128xi32, #tpu.memory_space<vmem>>) semaphore(%arg8 : memref<!tpu.dma_semaphore, #tpu.memory_space<semaphore_mem>>)
    %dma_wait3A_725 = arith.constant 1 : i32
    %dma_wait3A_726 = arith.constant 0 : i32
    %dma_wait3A_727 = arith.constant 0 : i32
    %dma_wait3A_728 = tpu.memref_slice %arg7[%dma_wait3A_725, %dma_wait3A_726, %dma_wait3A_727] : memref<2x128x64xf32, #tpu.memory_space<vmem>> -> memref<1x128x64xf32, #tpu.memory_space<vmem>>
    %dma_wait3A_729 = tpu.memref_squeeze %dma_wait3A_728 : memref<1x128x64xf32, #tpu.memory_space<vmem>> -> memref<128x64xf32, #tpu.memory_space<vmem>>
    %dma_wait3A_730 = arith.constant 1664 : i32
    %dma_wait3A_731 = tpu.memref_slice %arg5[%dma_wait3A_730] : memref<2048xi32, #tpu.memory_space<vmem>> -> memref<128xi32, #tpu.memory_space<vmem>>
    %dma_wait3A_732 = arith.constant 0 : i32
    %dma_wait3A_733 = arith.constant 0 : i32
    %dma_wait3A_734 = tpu.memref_slice %arg6[%dma_wait3A_732, %dma_wait3A_733] : memref<512x64xf32, #tpu.memory_space<vmem_shared>> -> memref<512x64xf32, #tpu.memory_space<vmem_shared>>
    tpu.wait_indirect_dma semaphore(%arg8 : memref<!tpu.dma_semaphore, #tpu.memory_space<semaphore_mem>>) src(%dma_wait3A_734 : memref<512x64xf32, #tpu.memory_space<vmem_shared>>) dst(%dma_wait3A_729 : memref<128x64xf32, #tpu.memory_space<vmem>>)
    %mul3A_735 = arith.constant 2048 : i32
    %mul3A_736 = arith.muli %add3A, %mul3A_735 : i32
    %add3A_737 = arith.constant 1664 : i32
    %add3A_738 = arith.addi %mul3A_736, %add3A_737 : i32
    %dma_start3A_739 = arith.constant 1 : i32
    %dma_start3A_740 = arith.constant 1 : i32
    %dma_start3A_741 = arith.constant 0 : i32
    %dma_start3A_742 = arith.constant 0 : i32
    %dma_start3A_743 = tpu.memref_slice %arg7[%dma_start3A_739, %dma_start3A_741, %dma_start3A_742] : memref<2x128x64xf32, #tpu.memory_space<vmem>> -> memref<1x128x64xf32, #tpu.memory_space<vmem>>
    %dma_start3A_744 = tpu.memref_squeeze %dma_start3A_743 : memref<1x128x64xf32, #tpu.memory_space<vmem>> -> memref<128x64xf32, #tpu.memory_space<vmem>>
    %dma_start3A_745 = arith.constant 0 : i32
    %dma_start3A_746 = tpu.memref_slice %arg4[%add3A_738, %dma_start3A_745] : memref<65536x64xf32, #tpu.memory_space<hbm>> -> memref<128x64xf32, #tpu.memory_space<hbm>>
    %dma_start3A_747 = tpu.memref_slice %arg9[%dma_start3A_740] : memref<2x!tpu.dma_semaphore, #tpu.memory_space<semaphore_mem>> -> memref<1x!tpu.dma_semaphore, #tpu.memory_space<semaphore_mem>>
    %dma_start3A_748 = tpu.memref_squeeze %dma_start3A_747 : memref<1x!tpu.dma_semaphore, #tpu.memory_space<semaphore_mem>> -> memref<!tpu.dma_semaphore, #tpu.memory_space<semaphore_mem>>
    %dma_start3A_749 = arith.constant 0 : i32
    %dma_start3A_750 = tpu.memref_slice %arg4[%add3A_738, %dma_start3A_749] : memref<65536x64xf32, #tpu.memory_space<hbm>> -> memref<128x64xf32, #tpu.memory_space<hbm>>
    %dma_start3A_751 = arith.constant 0 : i32
    %dma_start3A_752 = arith.constant 0 : i32
    %dma_start3A_753 = tpu.memref_slice %arg7[%dma_start3A_739, %dma_start3A_751, %dma_start3A_752] : memref<2x128x64xf32, #tpu.memory_space<vmem>> -> memref<1x128x64xf32, #tpu.memory_space<vmem>>
    %dma_start3A_754 = tpu.memref_squeeze %dma_start3A_753 : memref<1x128x64xf32, #tpu.memory_space<vmem>> -> memref<128x64xf32, #tpu.memory_space<vmem>>
    tpu.enqueue_dma source(%dma_start3A_754 : memref<128x64xf32, #tpu.memory_space<vmem>>) target(%dma_start3A_750 : memref<128x64xf32, #tpu.memory_space<hbm>>) target_semaphore(%dma_start3A_748 : memref<!tpu.dma_semaphore, #tpu.memory_space<semaphore_mem>>)
    %dma_wait3A_755 = arith.constant 0 : i32
    %dma_wait3A_756 = arith.constant 0 : i32
    %dma_wait3A_757 = arith.constant 0 : i32
    %dma_wait3A_758 = arith.constant 0 : i32
    %dma_wait3A_759 = tpu.memref_slice %arg7[%dma_wait3A_755, %dma_wait3A_757, %dma_wait3A_758] : memref<2x128x64xf32, #tpu.memory_space<vmem>> -> memref<1x128x64xf32, #tpu.memory_space<vmem>>
    %dma_wait3A_760 = tpu.memref_squeeze %dma_wait3A_759 : memref<1x128x64xf32, #tpu.memory_space<vmem>> -> memref<128x64xf32, #tpu.memory_space<vmem>>
    %dma_wait3A_761 = arith.constant 0 : i32
    %dma_wait3A_762 = tpu.memref_slice %arg4[%add3A_682, %dma_wait3A_761] : memref<65536x64xf32, #tpu.memory_space<hbm>> -> memref<128x64xf32, #tpu.memory_space<hbm>>
    %dma_wait3A_763 = tpu.memref_slice %arg9[%dma_wait3A_756] : memref<2x!tpu.dma_semaphore, #tpu.memory_space<semaphore_mem>> -> memref<1x!tpu.dma_semaphore, #tpu.memory_space<semaphore_mem>>
    %dma_wait3A_764 = tpu.memref_squeeze %dma_wait3A_763 : memref<1x!tpu.dma_semaphore, #tpu.memory_space<semaphore_mem>> -> memref<!tpu.dma_semaphore, #tpu.memory_space<semaphore_mem>>
    %dma_wait3A_765 = arith.constant 0 : i32
    %dma_wait3A_766 = tpu.memref_slice %arg4[%add3A_682, %dma_wait3A_765] : memref<65536x64xf32, #tpu.memory_space<hbm>> -> memref<128x64xf32, #tpu.memory_space<hbm>>
    %dma_wait3A_767 = arith.constant 0 : i32
    %dma_wait3A_768 = arith.constant 0 : i32
    %dma_wait3A_769 = tpu.memref_slice %arg7[%dma_wait3A_755, %dma_wait3A_767, %dma_wait3A_768] : memref<2x128x64xf32, #tpu.memory_space<vmem>> -> memref<1x128x64xf32, #tpu.memory_space<vmem>>
    %dma_wait3A_770 = tpu.memref_squeeze %dma_wait3A_769 : memref<1x128x64xf32, #tpu.memory_space<vmem>> -> memref<128x64xf32, #tpu.memory_space<vmem>>
    tpu.wait_dma2 semaphore(%dma_wait3A_764 : memref<!tpu.dma_semaphore, #tpu.memory_space<semaphore_mem>>) src(%dma_wait3A_770 : memref<128x64xf32, #tpu.memory_space<vmem>>) dst(%dma_wait3A_766 : memref<128x64xf32, #tpu.memory_space<hbm>>)
    %dma_start3A_771 = arith.constant 0 : i32
    %dma_start3A_772 = arith.constant 0 : i32
    %dma_start3A_773 = arith.constant 0 : i32
    %dma_start3A_774 = tpu.memref_slice %arg7[%dma_start3A_771, %dma_start3A_772, %dma_start3A_773] : memref<2x128x64xf32, #tpu.memory_space<vmem>> -> memref<1x128x64xf32, #tpu.memory_space<vmem>>
    %dma_start3A_775 = tpu.memref_squeeze %dma_start3A_774 : memref<1x128x64xf32, #tpu.memory_space<vmem>> -> memref<128x64xf32, #tpu.memory_space<vmem>>
    %dma_start3A_776 = arith.constant 1792 : i32
    %dma_start3A_777 = tpu.memref_slice %arg5[%dma_start3A_776] : memref<2048xi32, #tpu.memory_space<vmem>> -> memref<128xi32, #tpu.memory_space<vmem>>
    %dma_start3A_778 = arith.constant 0 : i32
    %dma_start3A_779 = arith.constant 0 : i32
    %dma_start3A_780 = tpu.memref_slice %arg6[%dma_start3A_778, %dma_start3A_779] : memref<512x64xf32, #tpu.memory_space<vmem_shared>> -> memref<512x64xf32, #tpu.memory_space<vmem_shared>>
    tpu.enqueue_indirect_dma source(%dma_start3A_780 : memref<512x64xf32, #tpu.memory_space<vmem_shared>>) target(%dma_start3A_775 : memref<128x64xf32, #tpu.memory_space<vmem>>) offsets(%dma_start3A_777 : memref<128xi32, #tpu.memory_space<vmem>>) semaphore(%arg8 : memref<!tpu.dma_semaphore, #tpu.memory_space<semaphore_mem>>)
    %dma_wait3A_781 = arith.constant 0 : i32
    %dma_wait3A_782 = arith.constant 0 : i32
    %dma_wait3A_783 = arith.constant 0 : i32
    %dma_wait3A_784 = tpu.memref_slice %arg7[%dma_wait3A_781, %dma_wait3A_782, %dma_wait3A_783] : memref<2x128x64xf32, #tpu.memory_space<vmem>> -> memref<1x128x64xf32, #tpu.memory_space<vmem>>
    %dma_wait3A_785 = tpu.memref_squeeze %dma_wait3A_784 : memref<1x128x64xf32, #tpu.memory_space<vmem>> -> memref<128x64xf32, #tpu.memory_space<vmem>>
    %dma_wait3A_786 = arith.constant 1792 : i32
    %dma_wait3A_787 = tpu.memref_slice %arg5[%dma_wait3A_786] : memref<2048xi32, #tpu.memory_space<vmem>> -> memref<128xi32, #tpu.memory_space<vmem>>
    %dma_wait3A_788 = arith.constant 0 : i32
    %dma_wait3A_789 = arith.constant 0 : i32
    %dma_wait3A_790 = tpu.memref_slice %arg6[%dma_wait3A_788, %dma_wait3A_789] : memref<512x64xf32, #tpu.memory_space<vmem_shared>> -> memref<512x64xf32, #tpu.memory_space<vmem_shared>>
    tpu.wait_indirect_dma semaphore(%arg8 : memref<!tpu.dma_semaphore, #tpu.memory_space<semaphore_mem>>) src(%dma_wait3A_790 : memref<512x64xf32, #tpu.memory_space<vmem_shared>>) dst(%dma_wait3A_785 : memref<128x64xf32, #tpu.memory_space<vmem>>)
    %mul3A_791 = arith.constant 2048 : i32
    %mul3A_792 = arith.muli %add3A, %mul3A_791 : i32
    %add3A_793 = arith.constant 1792 : i32
    %add3A_794 = arith.addi %mul3A_792, %add3A_793 : i32
    %dma_start3A_795 = arith.constant 0 : i32
    %dma_start3A_796 = arith.constant 0 : i32
    %dma_start3A_797 = arith.constant 0 : i32
    %dma_start3A_798 = arith.constant 0 : i32
    %dma_start3A_799 = tpu.memref_slice %arg7[%dma_start3A_795, %dma_start3A_797, %dma_start3A_798] : memref<2x128x64xf32, #tpu.memory_space<vmem>> -> memref<1x128x64xf32, #tpu.memory_space<vmem>>
    %dma_start3A_800 = tpu.memref_squeeze %dma_start3A_799 : memref<1x128x64xf32, #tpu.memory_space<vmem>> -> memref<128x64xf32, #tpu.memory_space<vmem>>
    %dma_start3A_801 = arith.constant 0 : i32
    %dma_start3A_802 = tpu.memref_slice %arg4[%add3A_794, %dma_start3A_801] : memref<65536x64xf32, #tpu.memory_space<hbm>> -> memref<128x64xf32, #tpu.memory_space<hbm>>
    %dma_start3A_803 = tpu.memref_slice %arg9[%dma_start3A_796] : memref<2x!tpu.dma_semaphore, #tpu.memory_space<semaphore_mem>> -> memref<1x!tpu.dma_semaphore, #tpu.memory_space<semaphore_mem>>
    %dma_start3A_804 = tpu.memref_squeeze %dma_start3A_803 : memref<1x!tpu.dma_semaphore, #tpu.memory_space<semaphore_mem>> -> memref<!tpu.dma_semaphore, #tpu.memory_space<semaphore_mem>>
    %dma_start3A_805 = arith.constant 0 : i32
    %dma_start3A_806 = tpu.memref_slice %arg4[%add3A_794, %dma_start3A_805] : memref<65536x64xf32, #tpu.memory_space<hbm>> -> memref<128x64xf32, #tpu.memory_space<hbm>>
    %dma_start3A_807 = arith.constant 0 : i32
    %dma_start3A_808 = arith.constant 0 : i32
    %dma_start3A_809 = tpu.memref_slice %arg7[%dma_start3A_795, %dma_start3A_807, %dma_start3A_808] : memref<2x128x64xf32, #tpu.memory_space<vmem>> -> memref<1x128x64xf32, #tpu.memory_space<vmem>>
    %dma_start3A_810 = tpu.memref_squeeze %dma_start3A_809 : memref<1x128x64xf32, #tpu.memory_space<vmem>> -> memref<128x64xf32, #tpu.memory_space<vmem>>
    tpu.enqueue_dma source(%dma_start3A_810 : memref<128x64xf32, #tpu.memory_space<vmem>>) target(%dma_start3A_806 : memref<128x64xf32, #tpu.memory_space<hbm>>) target_semaphore(%dma_start3A_804 : memref<!tpu.dma_semaphore, #tpu.memory_space<semaphore_mem>>)
    %dma_wait3A_811 = arith.constant 1 : i32
    %dma_wait3A_812 = arith.constant 1 : i32
    %dma_wait3A_813 = arith.constant 0 : i32
    %dma_wait3A_814 = arith.constant 0 : i32
    %dma_wait3A_815 = tpu.memref_slice %arg7[%dma_wait3A_811, %dma_wait3A_813, %dma_wait3A_814] : memref<2x128x64xf32, #tpu.memory_space<vmem>> -> memref<1x128x64xf32, #tpu.memory_space<vmem>>
    %dma_wait3A_816 = tpu.memref_squeeze %dma_wait3A_815 : memref<1x128x64xf32, #tpu.memory_space<vmem>> -> memref<128x64xf32, #tpu.memory_space<vmem>>
    %dma_wait3A_817 = arith.constant 0 : i32
    %dma_wait3A_818 = tpu.memref_slice %arg4[%add3A_738, %dma_wait3A_817] : memref<65536x64xf32, #tpu.memory_space<hbm>> -> memref<128x64xf32, #tpu.memory_space<hbm>>
    %dma_wait3A_819 = tpu.memref_slice %arg9[%dma_wait3A_812] : memref<2x!tpu.dma_semaphore, #tpu.memory_space<semaphore_mem>> -> memref<1x!tpu.dma_semaphore, #tpu.memory_space<semaphore_mem>>
    %dma_wait3A_820 = tpu.memref_squeeze %dma_wait3A_819 : memref<1x!tpu.dma_semaphore, #tpu.memory_space<semaphore_mem>> -> memref<!tpu.dma_semaphore, #tpu.memory_space<semaphore_mem>>
    %dma_wait3A_821 = arith.constant 0 : i32
    %dma_wait3A_822 = tpu.memref_slice %arg4[%add3A_738, %dma_wait3A_821] : memref<65536x64xf32, #tpu.memory_space<hbm>> -> memref<128x64xf32, #tpu.memory_space<hbm>>
    %dma_wait3A_823 = arith.constant 0 : i32
    %dma_wait3A_824 = arith.constant 0 : i32
    %dma_wait3A_825 = tpu.memref_slice %arg7[%dma_wait3A_811, %dma_wait3A_823, %dma_wait3A_824] : memref<2x128x64xf32, #tpu.memory_space<vmem>> -> memref<1x128x64xf32, #tpu.memory_space<vmem>>
    %dma_wait3A_826 = tpu.memref_squeeze %dma_wait3A_825 : memref<1x128x64xf32, #tpu.memory_space<vmem>> -> memref<128x64xf32, #tpu.memory_space<vmem>>
    tpu.wait_dma2 semaphore(%dma_wait3A_820 : memref<!tpu.dma_semaphore, #tpu.memory_space<semaphore_mem>>) src(%dma_wait3A_826 : memref<128x64xf32, #tpu.memory_space<vmem>>) dst(%dma_wait3A_822 : memref<128x64xf32, #tpu.memory_space<hbm>>)
    %dma_start3A_827 = arith.constant 1 : i32
    %dma_start3A_828 = arith.constant 0 : i32
    %dma_start3A_829 = arith.constant 0 : i32
    %dma_start3A_830 = tpu.memref_slice %arg7[%dma_start3A_827, %dma_start3A_828, %dma_start3A_829] : memref<2x128x64xf32, #tpu.memory_space<vmem>> -> memref<1x128x64xf32, #tpu.memory_space<vmem>>
    %dma_start3A_831 = tpu.memref_squeeze %dma_start3A_830 : memref<1x128x64xf32, #tpu.memory_space<vmem>> -> memref<128x64xf32, #tpu.memory_space<vmem>>
    %dma_start3A_832 = arith.constant 1920 : i32
    %dma_start3A_833 = tpu.memref_slice %arg5[%dma_start3A_832] : memref<2048xi32, #tpu.memory_space<vmem>> -> memref<128xi32, #tpu.memory_space<vmem>>
    %dma_start3A_834 = arith.constant 0 : i32
    %dma_start3A_835 = arith.constant 0 : i32
    %dma_start3A_836 = tpu.memref_slice %arg6[%dma_start3A_834, %dma_start3A_835] : memref<512x64xf32, #tpu.memory_space<vmem_shared>> -> memref<512x64xf32, #tpu.memory_space<vmem_shared>>
    tpu.enqueue_indirect_dma source(%dma_start3A_836 : memref<512x64xf32, #tpu.memory_space<vmem_shared>>) target(%dma_start3A_831 : memref<128x64xf32, #tpu.memory_space<vmem>>) offsets(%dma_start3A_833 : memref<128xi32, #tpu.memory_space<vmem>>) semaphore(%arg8 : memref<!tpu.dma_semaphore, #tpu.memory_space<semaphore_mem>>)
    %dma_wait3A_837 = arith.constant 1 : i32
    %dma_wait3A_838 = arith.constant 0 : i32
    %dma_wait3A_839 = arith.constant 0 : i32
    %dma_wait3A_840 = tpu.memref_slice %arg7[%dma_wait3A_837, %dma_wait3A_838, %dma_wait3A_839] : memref<2x128x64xf32, #tpu.memory_space<vmem>> -> memref<1x128x64xf32, #tpu.memory_space<vmem>>
    %dma_wait3A_841 = tpu.memref_squeeze %dma_wait3A_840 : memref<1x128x64xf32, #tpu.memory_space<vmem>> -> memref<128x64xf32, #tpu.memory_space<vmem>>
    %dma_wait3A_842 = arith.constant 1920 : i32
    %dma_wait3A_843 = tpu.memref_slice %arg5[%dma_wait3A_842] : memref<2048xi32, #tpu.memory_space<vmem>> -> memref<128xi32, #tpu.memory_space<vmem>>
    %dma_wait3A_844 = arith.constant 0 : i32
    %dma_wait3A_845 = arith.constant 0 : i32
    %dma_wait3A_846 = tpu.memref_slice %arg6[%dma_wait3A_844, %dma_wait3A_845] : memref<512x64xf32, #tpu.memory_space<vmem_shared>> -> memref<512x64xf32, #tpu.memory_space<vmem_shared>>
    tpu.wait_indirect_dma semaphore(%arg8 : memref<!tpu.dma_semaphore, #tpu.memory_space<semaphore_mem>>) src(%dma_wait3A_846 : memref<512x64xf32, #tpu.memory_space<vmem_shared>>) dst(%dma_wait3A_841 : memref<128x64xf32, #tpu.memory_space<vmem>>)
    %mul3A_847 = arith.constant 2048 : i32
    %mul3A_848 = arith.muli %add3A, %mul3A_847 : i32
    %add3A_849 = arith.constant 1920 : i32
    %add3A_850 = arith.addi %mul3A_848, %add3A_849 : i32
    %dma_start3A_851 = arith.constant 1 : i32
    %dma_start3A_852 = arith.constant 1 : i32
    %dma_start3A_853 = arith.constant 0 : i32
    %dma_start3A_854 = arith.constant 0 : i32
    %dma_start3A_855 = tpu.memref_slice %arg7[%dma_start3A_851, %dma_start3A_853, %dma_start3A_854] : memref<2x128x64xf32, #tpu.memory_space<vmem>> -> memref<1x128x64xf32, #tpu.memory_space<vmem>>
    %dma_start3A_856 = tpu.memref_squeeze %dma_start3A_855 : memref<1x128x64xf32, #tpu.memory_space<vmem>> -> memref<128x64xf32, #tpu.memory_space<vmem>>
    %dma_start3A_857 = arith.constant 0 : i32
    %dma_start3A_858 = tpu.memref_slice %arg4[%add3A_850, %dma_start3A_857] : memref<65536x64xf32, #tpu.memory_space<hbm>> -> memref<128x64xf32, #tpu.memory_space<hbm>>
    %dma_start3A_859 = tpu.memref_slice %arg9[%dma_start3A_852] : memref<2x!tpu.dma_semaphore, #tpu.memory_space<semaphore_mem>> -> memref<1x!tpu.dma_semaphore, #tpu.memory_space<semaphore_mem>>
    %dma_start3A_860 = tpu.memref_squeeze %dma_start3A_859 : memref<1x!tpu.dma_semaphore, #tpu.memory_space<semaphore_mem>> -> memref<!tpu.dma_semaphore, #tpu.memory_space<semaphore_mem>>
    %dma_start3A_861 = arith.constant 0 : i32
    %dma_start3A_862 = tpu.memref_slice %arg4[%add3A_850, %dma_start3A_861] : memref<65536x64xf32, #tpu.memory_space<hbm>> -> memref<128x64xf32, #tpu.memory_space<hbm>>
    %dma_start3A_863 = arith.constant 0 : i32
    %dma_start3A_864 = arith.constant 0 : i32
    %dma_start3A_865 = tpu.memref_slice %arg7[%dma_start3A_851, %dma_start3A_863, %dma_start3A_864] : memref<2x128x64xf32, #tpu.memory_space<vmem>> -> memref<1x128x64xf32, #tpu.memory_space<vmem>>
    %dma_start3A_866 = tpu.memref_squeeze %dma_start3A_865 : memref<1x128x64xf32, #tpu.memory_space<vmem>> -> memref<128x64xf32, #tpu.memory_space<vmem>>
    tpu.enqueue_dma source(%dma_start3A_866 : memref<128x64xf32, #tpu.memory_space<vmem>>) target(%dma_start3A_862 : memref<128x64xf32, #tpu.memory_space<hbm>>) target_semaphore(%dma_start3A_860 : memref<!tpu.dma_semaphore, #tpu.memory_space<semaphore_mem>>)
    %dma_wait3A_867 = arith.constant 0 : i32
    %dma_wait3A_868 = arith.constant 0 : i32
    %dma_wait3A_869 = arith.constant 0 : i32
    %dma_wait3A_870 = arith.constant 0 : i32
    %dma_wait3A_871 = tpu.memref_slice %arg7[%dma_wait3A_867, %dma_wait3A_869, %dma_wait3A_870] : memref<2x128x64xf32, #tpu.memory_space<vmem>> -> memref<1x128x64xf32, #tpu.memory_space<vmem>>
    %dma_wait3A_872 = tpu.memref_squeeze %dma_wait3A_871 : memref<1x128x64xf32, #tpu.memory_space<vmem>> -> memref<128x64xf32, #tpu.memory_space<vmem>>
    %dma_wait3A_873 = arith.constant 0 : i32
    %dma_wait3A_874 = tpu.memref_slice %arg4[%add3A_794, %dma_wait3A_873] : memref<65536x64xf32, #tpu.memory_space<hbm>> -> memref<128x64xf32, #tpu.memory_space<hbm>>
    %dma_wait3A_875 = tpu.memref_slice %arg9[%dma_wait3A_868] : memref<2x!tpu.dma_semaphore, #tpu.memory_space<semaphore_mem>> -> memref<1x!tpu.dma_semaphore, #tpu.memory_space<semaphore_mem>>
    %dma_wait3A_876 = tpu.memref_squeeze %dma_wait3A_875 : memref<1x!tpu.dma_semaphore, #tpu.memory_space<semaphore_mem>> -> memref<!tpu.dma_semaphore, #tpu.memory_space<semaphore_mem>>
    %dma_wait3A_877 = arith.constant 0 : i32
    %dma_wait3A_878 = tpu.memref_slice %arg4[%add3A_794, %dma_wait3A_877] : memref<65536x64xf32, #tpu.memory_space<hbm>> -> memref<128x64xf32, #tpu.memory_space<hbm>>
    %dma_wait3A_879 = arith.constant 0 : i32
    %dma_wait3A_880 = arith.constant 0 : i32
    %dma_wait3A_881 = tpu.memref_slice %arg7[%dma_wait3A_867, %dma_wait3A_879, %dma_wait3A_880] : memref<2x128x64xf32, #tpu.memory_space<vmem>> -> memref<1x128x64xf32, #tpu.memory_space<vmem>>
    %dma_wait3A_882 = tpu.memref_squeeze %dma_wait3A_881 : memref<1x128x64xf32, #tpu.memory_space<vmem>> -> memref<128x64xf32, #tpu.memory_space<vmem>>
    tpu.wait_dma2 semaphore(%dma_wait3A_876 : memref<!tpu.dma_semaphore, #tpu.memory_space<semaphore_mem>>) src(%dma_wait3A_882 : memref<128x64xf32, #tpu.memory_space<vmem>>) dst(%dma_wait3A_878 : memref<128x64xf32, #tpu.memory_space<hbm>>)
    %dma_wait3A_883 = arith.constant 1 : i32
    %dma_wait3A_884 = arith.constant 1 : i32
    %dma_wait3A_885 = arith.constant 0 : i32
    %dma_wait3A_886 = arith.constant 0 : i32
    %dma_wait3A_887 = tpu.memref_slice %arg7[%dma_wait3A_883, %dma_wait3A_885, %dma_wait3A_886] : memref<2x128x64xf32, #tpu.memory_space<vmem>> -> memref<1x128x64xf32, #tpu.memory_space<vmem>>
    %dma_wait3A_888 = tpu.memref_squeeze %dma_wait3A_887 : memref<1x128x64xf32, #tpu.memory_space<vmem>> -> memref<128x64xf32, #tpu.memory_space<vmem>>
    %dma_wait3A_889 = arith.constant 0 : i32
    %dma_wait3A_890 = tpu.memref_slice %arg4[%add3A_850, %dma_wait3A_889] : memref<65536x64xf32, #tpu.memory_space<hbm>> -> memref<128x64xf32, #tpu.memory_space<hbm>>
    %dma_wait3A_891 = tpu.memref_slice %arg9[%dma_wait3A_884] : memref<2x!tpu.dma_semaphore, #tpu.memory_space<semaphore_mem>> -> memref<1x!tpu.dma_semaphore, #tpu.memory_space<semaphore_mem>>
    %dma_wait3A_892 = tpu.memref_squeeze %dma_wait3A_891 : memref<1x!tpu.dma_semaphore, #tpu.memory_space<semaphore_mem>> -> memref<!tpu.dma_semaphore, #tpu.memory_space<semaphore_mem>>
    %dma_wait3A_893 = arith.constant 0 : i32
    %dma_wait3A_894 = tpu.memref_slice %arg4[%add3A_850, %dma_wait3A_893] : memref<65536x64xf32, #tpu.memory_space<hbm>> -> memref<128x64xf32, #tpu.memory_space<hbm>>
    %dma_wait3A_895 = arith.constant 0 : i32
    %dma_wait3A_896 = arith.constant 0 : i32
    %dma_wait3A_897 = tpu.memref_slice %arg7[%dma_wait3A_883, %dma_wait3A_895, %dma_wait3A_896] : memref<2x128x64xf32, #tpu.memory_space<vmem>> -> memref<1x128x64xf32, #tpu.memory_space<vmem>>
    %dma_wait3A_898 = tpu.memref_squeeze %dma_wait3A_897 : memref<1x128x64xf32, #tpu.memory_space<vmem>> -> memref<128x64xf32, #tpu.memory_space<vmem>>
    tpu.wait_dma2 semaphore(%dma_wait3A_892 : memref<!tpu.dma_semaphore, #tpu.memory_space<semaphore_mem>>) src(%dma_wait3A_898 : memref<128x64xf32, #tpu.memory_space<vmem>>) dst(%dma_wait3A_894 : memref<128x64xf32, #tpu.memory_space<hbm>>)
    return
  }
}

module attributes {stable_mosaic.version = 14 : i64} {
  func.func @_vq_tc_body(%arg0: i32, %arg1: memref<1x64x1024xf32, #tpu.memory_space<vmem>>, %arg2: memref<512x64xf32, #tpu.memory_space<vmem>>, %arg3: memref<8x1024xi32, #tpu.memory_space<vmem>>, %arg4: memref<1x1xf32, #tpu.memory_space<vmem>>) attributes {dimension_semantics = [#tpu.dimension_semantics<arbitrary>], iteration_bounds = array<i64: 64>, scalar_prefetch = 0 : i64, scratch_operands = 0 : i64, tpu.core_type = #tpu.core_type<tc>, window_params = [{transform_indices = @transform_0, window_bounds = array<i64: 1, 64, 1024>}, {pipeline_mode = #tpu.pipeline_mode<synchronous>, transform_indices = @transform_1, window_bounds = array<i64: 512, 64>}, {transform_indices = @transform_2, window_bounds = array<i64: 8, 1024>}, {pipeline_mode = #tpu.pipeline_mode<synchronous>, transform_indices = @transform_3, window_bounds = array<i64: 1, 1>}]} {
    %get3A = arith.constant 0 : index
    %get3A_0 = arith.constant 0 : index
    %get3A_1 = arith.constant 0 : index
    %get3A_2 = vector.load %arg1[%get3A, %get3A_0, %get3A_1] : memref<1x64x1024xf32, #tpu.memory_space<vmem>>, vector<1x64x1024xf32>
    %get3A_3 = vector.shape_cast %get3A_2 : vector<1x64x1024xf32> to vector<64x1024xf32>
    %get3A_4 = arith.constant 0 : index
    %get3A_5 = arith.constant 0 : index
    %get3A_6 = vector.load %arg2[%get3A_4, %get3A_5] : memref<512x64xf32, #tpu.memory_space<vmem>>, vector<512x64xf32>
    %dot_general3A = arith.constant dense<0.000000e+00> : vector<512x1024xf32>
    %dot_general3A_7 = tpu.matmul %get3A_6, %get3A_3, %dot_general3A {dimension_numbers = #tpu.dot_dimension_numbers<[1], [0], [0], [1], [0, 0, 1, 1], [], []>, transpose_lhs_hint = false} : vector<512x64xf32>, vector<64x1024xf32>, vector<512x1024xf32> -> vector<512x1024xf32>
    %mul3A = arith.mulf %get3A_6, %get3A_6 : vector<512x64xf32>
    %reduce_sum3A = arith.constant dense<0.000000e+00> : vector<512xf32>
    %reduce_sum3A_8 = vector.multi_reduction <add>, %mul3A, %reduce_sum3A [1] : vector<512x64xf32> to vector<512xf32>
    %broadcast_in_dim3A = vector.shape_cast %reduce_sum3A_8 : vector<512xf32> to vector<512x1xf32>
    %mul3A_9 = arith.constant 2.500000e-01 : f32
    %mul3A_10 = vector.broadcast %mul3A_9 : f32 to vector<512x1xf32>
    %mul3A_11 = arith.mulf %broadcast_in_dim3A, %mul3A_10 : vector<512x1xf32>
    %mul3A_12 = arith.mulf %get3A_3, %get3A_3 : vector<64x1024xf32>
    %reduce_sum3A_13 = arith.constant dense<0.000000e+00> : vector<1024xf32>
    %reduce_sum3A_14 = vector.multi_reduction <add>, %mul3A_12, %reduce_sum3A_13 [0] : vector<64x1024xf32> to vector<1024xf32>
    %broadcast_in_dim3A_15 = vector.shape_cast %reduce_sum3A_14 : vector<1024xf32> to vector<1x1024xf32>
    %add3A = vector.broadcast %broadcast_in_dim3A_15 : vector<1x1024xf32> to vector<512x1024xf32>
    %add3A_16 = arith.addf %add3A, %dot_general3A_7 : vector<512x1024xf32>
    %add3A_17 = vector.broadcast %mul3A_11 : vector<512x1xf32> to vector<512x1024xf32>
    %add3A_18 = arith.addf %add3A_16, %add3A_17 : vector<512x1024xf32>
    %reduce_min3A = arith.constant dense<0x7F800000> : vector<1024xf32>
    %reduce_min3A_19 = vector.multi_reduction <minimumf>, %add3A_18, %reduce_min3A [0] : vector<512x1024xf32> to vector<1024xf32>
    %broadcast_in_dim3A_20 = vector.shape_cast %reduce_min3A_19 : vector<1024xf32> to vector<1x1024xf32>
    %iota3A = tpu.iota {dimensions = array<i32: 0>} : vector<512x1024xi32>
    %eq3A = vector.broadcast %broadcast_in_dim3A_20 : vector<1x1024xf32> to vector<512x1024xf32>
    %eq3A_21 = arith.cmpf oeq, %add3A_18, %eq3A : vector<512x1024xf32>
    %jit3A = arith.constant 512 : i32
    %broadcast_in_dim3A_22 = vector.broadcast %jit3A : i32 to vector<512x1024xi32>
    %select_n3A = arith.select %eq3A_21, %iota3A, %broadcast_in_dim3A_22 : vector<512x1024xi1>, vector<512x1024xi32>
    %reduce_min3A_23 = arith.constant dense<2147483647> : vector<1024xi32>
    %reduce_min3A_24 = vector.multi_reduction <minsi>, %select_n3A, %reduce_min3A_23 [0] : vector<512x1024xi32> to vector<1024xi32>
    %broadcast_in_dim3A_25 = vector.shape_cast %reduce_min3A_24 : vector<1024xi32> to vector<1x1024xi32>
    %jit3A_26 = arith.constant 8 : i32
    %eq3A_27 = arith.constant 0 : i32
    %eq3A_28 = arith.cmpi eq, %jit3A_26, %eq3A_27 : i32
    %jit3A_29 = arith.constant 1 : i32
    %select_n3A_30 = arith.select %eq3A_28, %jit3A_29, %jit3A_26 : i32
    %rem3A = arith.remsi %arg0, %select_n3A_30 : i32
    %ne3A = arith.constant 0 : i32
    %ne3A_31 = arith.cmpi ne, %rem3A, %ne3A : i32
    %lt3A = arith.constant 0 : i32
    %lt3A_32 = arith.cmpi slt, %rem3A, %lt3A : i32
    %lt3A_33 = arith.constant 0 : i32
    %lt3A_34 = arith.cmpi slt, %select_n3A_30, %lt3A_33 : i32
    %ne3A_35 = arith.xori %lt3A_32, %lt3A_34 : i1
    %and3A = arith.andi %ne3A_35, %ne3A_31 : i1
    %add3A_36 = arith.addi %rem3A, %select_n3A_30 : i32
    %select_n3A_37 = arith.select %and3A, %add3A_36, %rem3A : i32
    %swap3A = arith.index_cast %select_n3A_37 : i32 to index
    %swap3A_38 = arith.constant 0 : index
    %swap3A_39 = vector.load %arg3[%swap3A, %swap3A_38] : memref<8x1024xi32, #tpu.memory_space<vmem>>, vector<1x1024xi32>
    tpu.vector_store %arg3[%swap3A, %swap3A_38], %broadcast_in_dim3A_25 {strides = array<i32>} : memref<8x1024xi32, #tpu.memory_space<vmem>>, vector<1x1024xi32>,
    %get3A_40 = arith.constant 0 : index
    %get3A_41 = arith.constant 0 : index
    %get3A_42 = vector.load %arg4[%get3A_40, %get3A_41] : memref<1x1xf32, #tpu.memory_space<vmem>>, vector<1x1xf32>
    %eq3A_43 = arith.constant 0 : i32
    %eq3A_44 = arith.cmpi eq, %arg0, %eq3A_43 : i32
    %broadcast_in_dim3A_45 = arith.constant 0.000000e+00 : f32
    %broadcast_in_dim3A_46 = vector.broadcast %broadcast_in_dim3A_45 : f32 to vector<1x1xf32>
    %select_n3A_47 = arith.select %eq3A_44, %broadcast_in_dim3A_46, %get3A_42 : vector<1x1xf32>
    %reduce_sum3A_48 = vector.shape_cast %broadcast_in_dim3A_20 : vector<1x1024xf32> to vector<1x1x1024xf32>
    %reduce_sum3A_49 = arith.constant dense<0.000000e+00> : vector<1xf32>
    %reduce_sum3A_50 = vector.multi_reduction <add>, %reduce_sum3A_48, %reduce_sum3A_49 [1, 2] : vector<1x1x1024xf32> to vector<1xf32>
    %reduce_sum3A_51 = vector.shape_cast %reduce_sum3A_50 : vector<1xf32> to vector<1x1x1xf32>
    %reduce_sum3A_52 = vector.extract %reduce_sum3A_51[0, 0, 0] : f32 from vector<1x1x1xf32>
    %add3A_53 = vector.broadcast %reduce_sum3A_52 : f32 to vector<1x1xf32>
    %add3A_54 = arith.addf %select_n3A_47, %add3A_53 : vector<1x1xf32>
    %eq3A_55 = arith.constant 63 : i32
    %eq3A_56 = arith.cmpi eq, %arg0, %eq3A_55 : i32
    %mul3A_57 = arith.constant 2.98023224E-7 : f32
    %mul3A_58 = vector.broadcast %mul3A_57 : f32 to vector<1x1xf32>
    %mul3A_59 = arith.mulf %add3A_54, %mul3A_58 : vector<1x1xf32>
    %select_n3A_60 = arith.select %eq3A_56, %mul3A_59, %add3A_54 : vector<1x1xf32>
    %swap3A_61 = arith.constant 0 : index
    %swap3A_62 = arith.constant 0 : index
    %swap3A_63 = vector.load %arg4[%swap3A_61, %swap3A_62] : memref<1x1xf32, #tpu.memory_space<vmem>>, vector<1x1xf32>
    tpu.vector_store %arg4[%swap3A_61, %swap3A_62], %select_n3A_60 {strides = array<i32>} : memref<1x1xf32, #tpu.memory_space<vmem>>, vector<1x1xf32>,
    return
  }
  func.func @transform_0(%arg0: i32) -> (i32, i32, i32) {
    %c0_i32 = arith.constant 0 : i32
    %c0_i32_0 = arith.constant 0 : i32
    %c0_i32_1 = arith.constant 0 : i32
    return %arg0, %c0_i32, %c0_i32_0 : i32, i32, i32
  }
  func.func @transform_1(%arg0: i32) -> (i32, i32) {
    %c0_i32 = arith.constant 0 : i32
    %c0_i32_0 = arith.constant 0 : i32
    %c0_i32_1 = arith.constant 0 : i32
    return %c0_i32, %c0_i32_0 : i32, i32
  }
  func.func @transform_2(%arg0: i32) -> (i32, i32) {
    %jit3A = arith.constant 8 : i32
    %div3A = arith.divsi %arg0, %jit3A : i32
    %sign3A = arith.constant 0 : i32
    %sign3A_0 = arith.cmpi sgt, %arg0, %sign3A : i32
    %sign3A_1 = arith.extui %sign3A_0 : i1 to i32
    %sign3A_2 = arith.constant 0 : i32
    %sign3A_3 = arith.cmpi slt, %arg0, %sign3A_2 : i32
    %sign3A_4 = arith.extui %sign3A_3 : i1 to i32
    %sign3A_5 = arith.subi %sign3A_1, %sign3A_4 : i32
    %sign3A_6 = arith.constant 0 : i32
    %sign3A_7 = arith.cmpi sgt, %jit3A, %sign3A_6 : i32
    %sign3A_8 = arith.extui %sign3A_7 : i1 to i32
    %sign3A_9 = arith.constant 0 : i32
    %sign3A_10 = arith.cmpi slt, %jit3A, %sign3A_9 : i32
    %sign3A_11 = arith.extui %sign3A_10 : i1 to i32
    %sign3A_12 = arith.subi %sign3A_8, %sign3A_11 : i32
    %ne3A = arith.cmpi ne, %sign3A_5, %sign3A_12 : i32
    %rem3A = arith.remsi %arg0, %jit3A : i32
    %ne3A_13 = arith.constant 0 : i32
    %ne3A_14 = arith.cmpi ne, %rem3A, %ne3A_13 : i32
    %and3A = arith.andi %ne3A, %ne3A_14 : i1
    %sub3A = arith.constant 1 : i32
    %sub3A_15 = arith.subi %div3A, %sub3A : i32
    %select_n3A = arith.select %and3A, %sub3A_15, %div3A : i32
    %c0_i32 = arith.constant 0 : i32
    %c0_i32_16 = arith.constant 0 : i32
    return %select_n3A, %c0_i32 : i32, i32
  }
  func.func @transform_3(%arg0: i32) -> (i32, i32) {
    %c0_i32 = arith.constant 0 : i32
    %c0_i32_0 = arith.constant 0 : i32
    %c0_i32_1 = arith.constant 0 : i32
    return %c0_i32, %c0_i32_0 : i32, i32
  }
}

</mosaic_0001>

<sc_bundles>
// kernel: kernel.4.cloned.1.call-start
scs
__scs_entry_jumppad:
0x0: {  	(pc) =	sbr.rel $0x88, $3  }
0x1: {  	(tag) =	ssettag $0x0;
	lr =	simm.s32 $0x1  }
0x2: {  	[smem:$0x3F9F] =	sst lr;
	_ =	strace $0xD0000000  }
0x3: {  	_ = 	snop  }
0x4: {  	_ = 	snop  }
0x5: {  	_ = 	snop  }
0x6: {  	_ = 	snop  }
0x7: {  	_ = 	snop  }
__scs_overlays_trampoline_lowered:
0x8: {  	[smem:$0x3FAE] =	sst s0  }
0x9: {  	[smem:$0x3FAF] =	sst s1  }
0xa: {  	[smem:$0x3FB0] =	sst s2  }
0xb: {  	[smem:$0x3FB1] =	sst s3  }
0xc: {  	[smem:$0x3FB2] =	sst s4  }
0xd: {  	[smem:$0x3FB3] =	sst s5  }
0xe: {  	[smem:$0x3FB4] =	sst s6  }
0xf: {  	[smem:$0x3FB5] =	sst s7  }
0x10: {  	[smem:$0x3FB6] =	sst s8  }
0x11: {  	[smem:$0x3FB7] =	sst s9;
	s0 =	simm.s32 @!p0 $0x0  }
0x12: {  	s1 =	sld [smem:$0x3F9D];
	s0 =	simm.s32 @p0 $0x1  }
0x13: {  	[smem:$0x3FB8] =	sst s0;
	s0 =	simm.s32 @!p1 $0x0  }
0x14: {  	s2 =	sld [smem:$0x3F9C];
	s0 =	simm.s32 @p1 $0x1  }
0x15: {  	[smem:$0x3FB9] =	sst s0;
	s0 =	simm.s32 @!p2 $0x0  }
0x16: {  	s3 =	sld [smem:$0x3FDB];
	s0 =	simm.s32 @p2 $0x1  }
0x17: {  	s4 =	simm.s32 $0x1BF5;
	[smem:$0x3FBB] =	sst s0  }
0x18: {  	s0 =	sld [smem:$0x3F9E];
	_ =	swait.ge [sflag:s4], $0x0  }
0x19: {  	s7 =	sld [smem:$0x3F9F]  }
0x1a: {  	s8 =	sadd.s32 $0xFFFFE003, lr  }
0x1b: {  	s9 =	sadd.s32 $0xFFFFFEF7, lr;
	s5 =	simm.s32 $0xFFFFFFFF;
	p2 =	slt.u32 s8, $0xFFFFF086  }
0x1c: {  	p1 =	slt.u32 s9, $0xF7A;
	s5 =	simm.s32 @!p2 $0x0  }
0x1d: {  	s5 =	simm.s32 @p1 $0x1;
	p0 =	seq.s32 s7, s2  }
0x1e: {  	s7 =	smul.u32 @!p0 $0xF7A, s2;
	p2 =	seq.s32 @!p0 s5, $0x0  }
0x1f: {  	s9 =	smul.u32 $0xF7A, s1;
	s8 =	simm.s32 @!p0 $0x1BF5;
	p2 =	por !p2, p0  }
0x20: {  	[sflag:s8] =	ssyncset.s32 @!p0 $0xFFFFF086;
	s6 =	sadd.s32 @!p0 s3, s7;
	s7 =	simm.s32 @!p0 $0x108  }
0x21: {  	s3 =	sadd.s32 s3, s9;
	s6 =	sadd.s32 @!p0 $0x88, s6;
	s7 =	simm.s32 @p2 $0x1082  }
0x22: {  	[simem:s7], [sflag:s8] =	dma.local @!p0 [hbm:s6], $0xF7A  }
0x23: {  	s9 =	sor.u32 $0xD0000000, s2;
	s6 =	simm.s32 $0x108;
	_ =	swait.ge @!p0 [sflag:s8], $0x0  }
0x24: {  	s3 =	sadd.s32 $0x88, s3;
	s6 =	simm.s32 @!p1 $0x1082;
	[sflag:s4] =	ssyncset.s32 $0xFFFFF086  }
0x25: {  	[simem:s6], [sflag:s4] =	dma.local [hbm:s3], $0xF7A  }
0x26: {  	[smem:$0x3F9F] =	sst s1;
	(tag) =	ssettag s2;
	_ =	strace s9  }
0x27: {  	s1 =	sld [smem:$0x3FAF]  }
0x28: {  	s2 =	sld [smem:$0x3FB0]  }
0x29: {  	s4 =	sld [smem:$0x3FB2]  }
0x2a: {  	p0 =	seq.s32 s5, $0x0;
	s5 =	sld [smem:$0x3FB3]  }
0x2b: {  	s6 =	sld [smem:$0x3FB4]  }
0x2c: {  	s7 =	sld [smem:$0x3FB5]  }
0x2d: {  	s3 =	simm.s32 $0x108;
	s8 =	sld [smem:$0x3FB6]  }
0x2e: {  	s3 =	simm.s32 @!p0 $0x1082;
	s9 =	sld [smem:$0x3FB7]  }
0x2f: {  	lr =	sadd.s32 s0, s3;
	s0 =	sld [smem:$0x3FAE]  }
0x30: {  	s3 =	sld [smem:$0x3FB1]  }
0x31: {  	[smem:$0x3FBA] =	sst s10  }
0x32: {  	s10 =	sld [smem:$0x3FB8];
	_ =	sdelay $0x3  }
0x33: {  	p0 =	seq.s32 s10, $0x1;
	s10 =	sld [smem:$0x3FBA];
	_ =	sdelay $0x3  }
0x34: {  	[smem:$0x3FBA] =	sst s10  }
0x35: {  	s10 =	sld [smem:$0x3FB9];
	_ =	sdelay $0x3  }
0x36: {  	p1 =	seq.s32 s10, $0x1;
	s10 =	sld [smem:$0x3FBA];
	_ =	sdelay $0x3  }
0x37: {  	[smem:$0x3FBA] =	sst s10  }
0x38: {  	s10 =	sld [smem:$0x3FBB]  }
0x39: {  	_ = 	snop;
	(pc) =	sbr.ind lr, $3  }
0x3a: {  	_ = 	snop  }
0x3b: {  	_ = 	snop  }
0x3c: {  	p2 =	seq.s32 s10, $0x1;
	s10 =	sld [smem:$0x3FBA]  }
0x3d: {  	_ =	shalt  }
0x3e: {  	_ =	shalt  }
0x3f: {  	_ =	shalt  }
0x40: {  	_ =	shalt  }
0x41: {  	_ =	shalt  }
0x42: {  	_ =	shalt  }
0x43: {  	_ =	shalt  }
0x44: {  	_ =	shalt  }
0x45: {  	_ =	shalt  }
0x46: {  	_ =	shalt  }
0x47: {  	_ =	shalt  }
0x48: {  	_ =	shalt  }
0x49: {  	_ =	shalt  }
0x4a: {  	_ =	shalt  }
0x4b: {  	_ =	shalt  }
0x4c: {  	_ =	shalt  }
0x4d: {  	_ =	shalt  }
0x4e: {  	_ =	shalt  }
0x4f: {  	_ =	shalt  }
0x50: {  	_ =	shalt  }
0x51: {  	_ =	shalt  }
0x52: {  	_ =	shalt  }
0x53: {  	_ =	shalt  }
0x54: {  	_ =	shalt  }
0x55: {  	_ =	shalt  }
0x56: {  	_ =	shalt  }
0x57: {  	_ =	shalt  }
0x58: {  	_ =	shalt  }
0x59: {  	_ =	shalt  }
0x5a: {  	_ =	shalt  }
0x5b: {  	_ =	shalt  }
0x5c: {  	_ =	shalt  }
0x5d: {  	_ =	shalt  }
0x5e: {  	_ =	shalt  }
0x5f: {  	_ =	shalt  }
0x60: {  	_ =	shalt  }
0x61: {  	_ =	shalt  }
0x62: {  	_ =	shalt  }
0x63: {  	_ =	shalt  }
0x64: {  	_ =	shalt  }
0x65: {  	_ =	shalt  }
0x66: {  	_ =	shalt  }
0x67: {  	_ =	shalt  }
0x68: {  	_ =	shalt  }
0x69: {  	_ =	shalt  }
0x6a: {  	_ =	shalt  }
0x6b: {  	_ =	shalt  }
0x6c: {  	_ =	shalt  }
0x6d: {  	_ =	shalt  }
0x6e: {  	_ =	shalt  }
0x6f: {  	_ =	shalt  }
0x70: {  	_ =	shalt  }
0x71: {  	_ =	shalt  }
0x72: {  	_ =	shalt  }
0x73: {  	_ =	shalt  }
0x74: {  	_ =	shalt  }
0x75: {  	_ =	shalt  }
0x76: {  	_ =	shalt  }
0x77: {  	_ =	shalt  }
0x78: {  	_ =	shalt  }
0x79: {  	_ =	shalt  }
0x7a: {  	_ =	shalt  }
0x7b: {  	_ =	shalt  }
0x7c: {  	_ =	shalt  }
0x7d: {  	_ =	shalt  }
0x7e: {  	_ =	shalt  }
0x7f: {  	_ =	shalt  }
0x80: {  	_ =	shalt  }
0x81: {  	_ =	shalt  }
0x82: {  	_ =	shalt  }
0x83: {  	_ =	shalt  }
0x84: {  	_ =	shalt  }
0x85: {  	_ =	shalt  }
0x86: {  	_ =	shalt  }
0x87: {  	_ =	shalt  }
.Lfunc_end0:
.L_simem_size_0:
called_computation_lowered:
.L_overlay_start_0:
0x88: {  	s2 =	sld [smem:$0x3FD9]  }
0x89: {  	s3 =	sld [smem:$0x3FFE];
	_ =	sdelay $0x1  }
0x8a: {  	s1 =	srdreg.scid  }
0x8b: {  	s0 =	sand.u32 $0x1, s1  }
0x8c: {  	s14 =	sshll.u32 s0, $0xA;
	s2 =	sadd.s32 s3, s2  }
0x8d: {  	s2 =	sadd.s32 s2, s14  }
0x8e: {  	[smem:$0x3FC6] =	sst s2  }
0x8f: {  	_ = 	snop  }
0x90: {  	s2 =	sld [smem:$0x3FD0];
	_ =	sdelay $0x2  }
0x91: {  	s15 =	simm.s32 $0xA;
	s4 =	simm.s32 $0x10  }
0x92: {  	[smem:s4], [sflag:s15] =	dma.local [hbm:s2], $0x1  }
0x93: {  	_ =	swait.eq [sflag:s15], $0x1  }
0x94: {  	[sflag:s15] =	ssyncset.done $0x0  }
0x95: {  	[sflag:s15] =	ssyncadd.s32 $0xFFFFFFFF  }
0x96: {  	s16 =	sld [smem:$0x10];
	(tm) =	ssettm $0x1  }
0x97: {  	s17 =	sld [smem:$0x3FFB];
	_ =	sdelay $0x3  }
0x98: {  	_ =	strace s17  }
0x99: {  	s3 =	sld [smem:$0x3FFC];
	_ =	sdelay $0x3  }
0x9a: {  	_ =	strace s3  }
0x9b: {  	s3 =	sld [smem:$0x3FFD];
	_ =	sdelay $0x3  }
0x9c: {  	_ =	strace s3  }
0x9d: {  	_ =	strace $0x8FFFFFFF  }
0x9e: {  	s18 =	sld [smem:$0x3FDB];
	_ =	sdelay $0x1  }
0x9f: {  	s19 =	simm.s32 $_scs_section_size  }
0xa0: {  	s5 =	simm.s32 $_size__tile_overlayer_lowered;
	s6 =	simm.s32 $_tile_overlayer_lowered  }
0xa1: {  	s22 =	simm.s32 $0x1BFF;
	s21 =	sshll.u32 s6, $0x1;
	s3 =	sadd.s32 s19, s18  }
0xa2: {  	s7 =	simm.s32 $0x0;
	s20 =	sshll.u32 s5, $0x1;
	s5 =	sadd.s32 s21, s3  }
0xa3: {  	[timem:s7], [sflag:s22] =	dma.local [hbm:s5], s20  }
0xa4: {  	_ =	swait.ge [sflag:s22], s20  }
0xa5: {  	s4 =	ssub.s32 $0x0, s20;
	[sflag:s22] =	ssyncset.done $0x0  }
0xa6: {  	[sflag:s22] =	ssyncadd.s32 s4;
	_ =	sdelay $0x1  }
0xa7: {  	s23 =	simm.s32 $0x1B8B  }
0xa8: {  	_ =	swait.ge [sflag:s23], $0x1  }
0xa9: {  	[sflag:s23] =	ssyncset.done $0x0  }
0xaa: {  	s25 =	simm.s32 $0x1B8E;
	s24 =	sld [smem:$0x3FFE];
	[sflag:s23] =	ssyncadd.s32 $0xFFFFFFFF  }
0xab: {  	s26 =	simm.s32 $execute0_lowered;
	[smem:$0x3FD2] =	sst s25  }
0xac: {  	s5 =	sshll.u32 s26, $0x1;
	_ =	strace $0x80000046;
	[dreg:$0x1] =	wrdreg $0xFFFFFFFF  }
0xad: {  	s28 =	simm.s32 $_size_execute0_lowered;
	s3 =	sadd.s32 s3, s5;
	[dreg:$0x0] =	wrdreg $0x0  }
0xae: {  	s5 =	sshll.u32 s28, $0x1;
	[dreg:$0x2] =	wrdreg s3  }
0xaf: {  	[dreg:$0x3] =	wrdreg s5  }
0xb0: {  	[dreg:$0x4] =	wrdreg $0xC0  }
0xb1: {  	_ =	task [dreg:s7], $0x5FFFF  }
0xb2: {  	[dreg:$0x1] =	wrdreg $0xFFFFFFFF  }
0xb3: {  	[dreg:$0x0] =	wrdreg $0x60  }
0xb4: {  	[dreg:$0x2] =	wrdreg s24  }
0xb5: {  	[dreg:$0x3] =	wrdreg s16  }
0xb6: {  	[dreg:$0x4] =	wrdreg $0x8000  }
0xb7: {  	[dreg:$0x5] =	wrdreg $0x9  }
0xb8: {  	_ =	task.clear_ibuf [dreg:s7], $0x6FFFF;
	_ =	strace $0x90000046  }
0xb9: {  	s29 =	simm.s32 $0x9;
	_ =	strace $0x80000048  }
0xba: {  	_ =	swait.ge [sflag:s29], $0x1  }
0xbb: {  	[sflag:s29] =	ssyncadd.s32 $0xFFFFFFFF  }
0xbc: {  	_ =	strace $0x90000048  }
0xbd: {  	_ =	sfence  }
0xbe: {  	s30 =	sld [smem:$0x0];
	_ =	sdelay $0x2  }
0xbf: {  	s31 =	sshll.u32 s1, $0xD;
	s1 =	sshrl.u32 s1, $0x2  }
0xc0: {  	s3 =	sand.u32 $0x4000, s31;
	s1 =	sadd.s32 s1, s30  }
0xc1: {  	s0 =	sor.u32 s3, s0;
	s1 =	sshll.u32 s1, $0x11  }
0xc2: {  	s0 =	sor.u32 s1, s0  }
0xc3: {  	s0 =	sadd.s32 $0x8F2B, s0  }
0xc4: {  	[sflag:s0] =	ssyncadd.remote.s32 $0x1  }
0xc5: {  	_ =	sfence.sel $0xFFFF  }
0xc6: {  	[dreg:$0x0] =	wrdreg $0xFFFFFFFF;
	(pc) =	sbr.abs _section_cstart, $3  }
0xc7: {  	[dreg:$0x1] =	wrdreg $0xFFFFFFFF  }
0xc8: {  	_ =	task.clear_ibuf [dreg:s7], $0x2FFFF;
	_ =	strace $0x9FFFFFFF  }
0xc9: {  	(tm) =	ssettm $0x7FFFFFFF  }
tec
execute0_lowered:
.L_overlay_start_1:
0x0: {  	(tag) =	ssettag $0x1  }
0x1: {  	s0 =	rddreg [dreg:$0x0]  }
0x2: {  	s3 =	rddreg [dreg:$0x1]  }
0x3: {  	s1 =	rddreg [dreg:$0x2];
	s2 =	srdreg.scid  }
0x4: {  	s30 =	rddreg [dreg:$0x3];
	s4 =	stileid.u32  }
0x5: {  	s9 =	simm.s32 $0x80;
	s10 =	simm.s32 $0x1000;
	s5 =	sand.u32 $0x1, s2  }
0x6: {  	s2 =	simm.s32 $0x0;
	s6 =	sshll.u32 s4, $0xC;
	s7 =	sshll.u32 s5, $0xB  }
0x7: {  	s8 =	simm.s32 $0x3000;
	[smem:$0x7FF] =	sst s2;
	s6 =	sor.u32 s7, s6  }
0x8: {  	p1 =	por $0x0, $0x0;
	_ =	strace $0x80000047;
	s7 =	sshrl.u32 s6, $0x3  }
0x9: {  	s6 =	sshll.u32 s6, $0x3;
	s7 =	sadd.s32 s7, s0;
	s0 =	sadd.s32 $0x800, s0  }
0xa: {  	s20 =	sadd.s32 s3, s6;
	[dreg:$0x4] =	wrdreg s0;
	s11 =	sadd.s32 $0x1800, s7  }
0xb: {  	p0 =	sne.s32 s4, $0x0;
	s12 =	sadd.s32 $0x400, s20;
	[dreg:$0x5] =	wrdreg s11  }
0xc: {  	s4 =	simm.s32 $0x3;
	s13 =	sadd.s32 $0x800, s20;
	[dreg:$0x6] =	wrdreg s12  }
0xd: {  	s24 =	ssub.s32 $0x2, s5;
	s14 =	sadd.s32 $0xC00, s20;
	[dreg:$0x7] =	wrdreg s13  }
0xe: {  	s28 =	sshrl.u32 @!p0 s1, $0x3;
	s15 =	sadd.s32 $0x1000, s20;
	[dreg:$0x8] =	wrdreg s14  }
0xf: {  	s5 =	sshrl.u32 s24, $0x1;
	s16 =	sadd.s32 $0x1400, s20;
	[dreg:$0x9] =	wrdreg s15  }
0x10: {  	s5 =	ssub.s32 s24, s5;
	s17 =	sadd.s32 $0x1800, s20;
	[dreg:$0xa] =	wrdreg s16  }
0x11: {  	s24 =	simm.s32 $0x180;
	s18 =	sadd.s32 $0x1C00, s20;
	[dreg:$0xb] =	wrdreg s17  }
0x12: {  	s29 =	smax.u32 s5, $0x1;
	s19 =	sadd.s32 $0x2000, s20;
	[dreg:$0xc] =	wrdreg s18  }
0x13: {  	s5 =	simm.s32 $0x2;
	s21 =	sadd.s32 $0x2400, s20;
	[dreg:$0xd] =	wrdreg s19  }
0x14: {  	s22 =	sadd.s32 $0x2800, s20;
	s23 =	sadd.s32 $0x2C00, s20;
	[dreg:$0xe] =	wrdreg s21  }
0x15: {  	s25 =	sadd.s32 $0x3000, s20;
	s26 =	sadd.s32 $0x3400, s20;
	[dreg:$0xf] =	wrdreg s22  }
0x16: {  	s6 =	sadd.s32 $0x3800, s20;
	s3 =	sadd.s32 $0x3C00, s20;
	[dreg:$0x10] =	wrdreg s23  }
0x17: {  	s7 =	simm.s32 $0x1;
	s31 =	sadd.s32 $0xFFFFFFFF, s29;
	[dreg:$0x11] =	wrdreg s25  }
0x18: {  	[dreg:$0x12] =	wrdreg s26;
	s26 =	simm.s32 $0x4;
	p2 =	sne.s32 s31, $0x0  }
.Ltmp0:
0x19: {  	s25 =	simm.s32 $0x100;
	s23 =	simm.s32 $0x200;
	(pc) =	sbr.rel @!p2 .LBB2_5-.Ltmp0, $4  }
0x1a: {  	s22 =	simm.s32 $0x280;
	s21 =	simm.s32 $0x300;
	s19 =	simm.s32 $0x380  }
0x1b: {  	s18 =	simm.s32 $0x400;
	s17 =	simm.s32 $0x480;
	s16 =	simm.s32 $0x500  }
0x1c: {  	s15 =	simm.s32 $0x580;
	s14 =	simm.s32 $0x600;
	s13 =	simm.s32 $0x680  }
0x1d: {  	s12 =	simm.s32 $0x700;
	s11 =	simm.s32 $0x780;
	s0 =	rddreg [dreg:$0x4]  }
0x1e: {  	s29 =	simm.s32 @!p0 $0x1C04;
	s30 =	simm.s32 @!p0 $0x4  }
0x1f: {  	[spmem:s28], [sflag:s29] =	dma.local @!p0 [hbm:s0], $0x1000  }
0x20: {  	_ =	swait.ge @!p0 [sflag:s30], $0x1000  }
0x21: {  	[sflag:s30] =	ssyncset.done @!p0 $0x0  }
0x22: {  	[sflag:s30] =	ssyncadd.s32 @!p0 $0xFFFFF000  }
0x23: {  	[bflag:$0x0] =	sbarrier.arrive $0xFFFF  }
0x24: {  	s0 =	rddreg [dreg:$0x5]  }
0x25: {  	[tilespmem:s2], [sflag:$0x4] =	stream.linear.gather [hbm4b:s0+s2], $0x800, $0x38;
	[tilespmem:$0x5000] =	vst v63  }
0x26: {  	_ =	swait.ge [sflag:s26], $0x800  }
0x27: {  	[sflag:s26] =	ssyncset.done $0x0  }
0x28: {  	[sflag:s26] =	ssyncadd.s32 $0xFFFFF800  }
0x29: {  	[tilespmem:s10], [sflag:$0x1] =	stream.indirect.gather [spmem:s1], $0x40, s2, s9, $0xb8;
	[tilespmem:$0x5000] =	vst v63  }
0x2a: {  	_ =	swait.ge [sflag:s7], $0x2000  }
0x2b: {  	[sflag:s7] =	ssyncset.done $0x0  }
0x2c: {  	[sflag:s7] =	ssyncadd.s32 $0xFFFFE000  }
0x2d: {  	[hbm4b:s20+s2] =	stream.linear.scatter [tilespmem:s10], [sflag:$0x2], $0x2000, $0x38;
	[tilespmem:$0x5000] =	vst v63  }
0x2e: {  	_ = 	snop  }
0x2f: {  	[tilespmem:s8], [sflag:$0x1] =	stream.indirect.gather [spmem:s1], $0x40, s9, s9, $0xb8;
	[tilespmem:$0x5000] =	vst v63  }
0x30: {  	_ =	swait.ge [sflag:s7], $0x2000  }
0x31: {  	[sflag:s7] =	ssyncset.done $0x0  }
0x32: {  	s0 =	rddreg [dreg:$0x6];
	[sflag:s7] =	ssyncadd.s32 $0xFFFFE000  }
0x33: {  	[hbm4b:s0+s2] =	stream.linear.scatter [tilespmem:s8], [sflag:$0x3], $0x2000, $0x38;
	[tilespmem:$0x5000] =	vst v63  }
0x34: {  	_ =	swait.ge [sflag:s5], $0x2000  }
0x35: {  	[sflag:s5] =	ssyncset.done $0x0  }
0x36: {  	[sflag:s5] =	ssyncadd.s32 $0xFFFFE000  }
0x37: {  	[tilespmem:s10], [sflag:$0x1] =	stream.indirect.gather [spmem:s1], $0x40, s25, s9, $0xb8;
	[tilespmem:$0x5000] =	vst v63  }
0x38: {  	_ =	swait.ge [sflag:s7], $0x2000  }
0x39: {  	[sflag:s7] =	ssyncset.done $0x0  }
0x3a: {  	s0 =	rddreg [dreg:$0x7];
	[sflag:s7] =	ssyncadd.s32 $0xFFFFE000  }
0x3b: {  	[hbm4b:s0+s2] =	stream.linear.scatter [tilespmem:s10], [sflag:$0x2], $0x2000, $0x38;
	[tilespmem:$0x5000] =	vst v63  }
0x3c: {  	_ =	swait.ge [sflag:s4], $0x2000  }
0x3d: {  	[sflag:s4] =	ssyncset.done $0x0  }
0x3e: {  	[sflag:s4] =	ssyncadd.s32 $0xFFFFE000  }
0x3f: {  	[tilespmem:s8], [sflag:$0x1] =	stream.indirect.gather [spmem:s1], $0x40, s24, s9, $0xb8;
	[tilespmem:$0x5000] =	vst v63  }
0x40: {  	_ =	swait.ge [sflag:s7], $0x2000  }
0x41: {  	[sflag:s7] =	ssyncset.done $0x0  }
0x42: {  	s0 =	rddreg [dreg:$0x8];
	[sflag:s7] =	ssyncadd.s32 $0xFFFFE000  }
0x43: {  	[hbm4b:s0+s2] =	stream.linear.scatter [tilespmem:s8], [sflag:$0x3], $0x2000, $0x38;
	[tilespmem:$0x5000] =	vst v63  }
0x44: {  	_ =	swait.ge [sflag:s5], $0x2000  }
0x45: {  	[sflag:s5] =	ssyncset.done $0x0  }
0x46: {  	[sflag:s5] =	ssyncadd.s32 $0xFFFFE000  }
0x47: {  	[tilespmem:s10], [sflag:$0x1] =	stream.indirect.gather [spmem:s1], $0x40, s23, s9, $0xb8;
	[tilespmem:$0x5000] =	vst v63  }
0x48: {  	_ =	swait.ge [sflag:s7], $0x2000  }
0x49: {  	[sflag:s7] =	ssyncset.done $0x0  }
0x4a: {  	s0 =	rddreg [dreg:$0x9];
	[sflag:s7] =	ssyncadd.s32 $0xFFFFE000  }
0x4b: {  	[hbm4b:s0+s2] =	stream.linear.scatter [tilespmem:s10], [sflag:$0x2], $0x2000, $0x38;
	[tilespmem:$0x5000] =	vst v63  }
0x4c: {  	_ =	swait.ge [sflag:s4], $0x2000  }
0x4d: {  	[sflag:s4] =	ssyncset.done $0x0  }
0x4e: {  	[sflag:s4] =	ssyncadd.s32 $0xFFFFE000  }
0x4f: {  	[tilespmem:s8], [sflag:$0x1] =	stream.indirect.gather [spmem:s1], $0x40, s22, s9, $0xb8;
	[tilespmem:$0x5000] =	vst v63  }
0x50: {  	_ =	swait.ge [sflag:s7], $0x2000  }
0x51: {  	[sflag:s7] =	ssyncset.done $0x0  }
0x52: {  	s0 =	rddreg [dreg:$0xa];
	[sflag:s7] =	ssyncadd.s32 $0xFFFFE000  }
0x53: {  	[hbm4b:s0+s2] =	stream.linear.scatter [tilespmem:s8], [sflag:$0x3], $0x2000, $0x38;
	[tilespmem:$0x5000] =	vst v63  }
0x54: {  	_ =	swait.ge [sflag:s5], $0x2000  }
0x55: {  	[sflag:s5] =	ssyncset.done $0x0  }
0x56: {  	[sflag:s5] =	ssyncadd.s32 $0xFFFFE000  }
0x57: {  	[tilespmem:s10], [sflag:$0x1] =	stream.indirect.gather [spmem:s1], $0x40, s21, s9, $0xb8;
	[tilespmem:$0x5000] =	vst v63  }
0x58: {  	_ =	swait.ge [sflag:s7], $0x2000  }
0x59: {  	[sflag:s7] =	ssyncset.done $0x0  }
0x5a: {  	s0 =	rddreg [dreg:$0xb];
	[sflag:s7] =	ssyncadd.s32 $0xFFFFE000  }
0x5b: {  	[hbm4b:s0+s2] =	stream.linear.scatter [tilespmem:s10], [sflag:$0x2], $0x2000, $0x38;
	[tilespmem:$0x5000] =	vst v63  }
0x5c: {  	_ =	swait.ge [sflag:s4], $0x2000  }
0x5d: {  	[sflag:s4] =	ssyncset.done $0x0  }
0x5e: {  	[sflag:s4] =	ssyncadd.s32 $0xFFFFE000  }
0x5f: {  	[tilespmem:s8], [sflag:$0x1] =	stream.indirect.gather [spmem:s1], $0x40, s19, s9, $0xb8;
	[tilespmem:$0x5000] =	vst v63  }
0x60: {  	_ =	swait.ge [sflag:s7], $0x2000  }
0x61: {  	[sflag:s7] =	ssyncset.done $0x0  }
0x62: {  	s0 =	rddreg [dreg:$0xc];
	[sflag:s7] =	ssyncadd.s32 $0xFFFFE000  }
0x63: {  	[hbm4b:s0+s2] =	stream.linear.scatter [tilespmem:s8], [sflag:$0x3], $0x2000, $0x38;
	[tilespmem:$0x5000] =	vst v63  }
0x64: {  	_ =	swait.ge [sflag:s5], $0x2000  }
0x65: {  	[sflag:s5] =	ssyncset.done $0x0  }
0x66: {  	[sflag:s5] =	ssyncadd.s32 $0xFFFFE000  }
0x67: {  	[tilespmem:s10], [sflag:$0x1] =	stream.indirect.gather [spmem:s1], $0x40, s18, s9, $0xb8;
	[tilespmem:$0x5000] =	vst v63  }
0x68: {  	_ =	swait.ge [sflag:s7], $0x2000  }
0x69: {  	[sflag:s7] =	ssyncset.done $0x0  }
0x6a: {  	s0 =	rddreg [dreg:$0xd];
	[sflag:s7] =	ssyncadd.s32 $0xFFFFE000  }
0x6b: {  	[hbm4b:s0+s2] =	stream.linear.scatter [tilespmem:s10], [sflag:$0x2], $0x2000, $0x38;
	[tilespmem:$0x5000] =	vst v63  }
0x6c: {  	_ =	swait.ge [sflag:s4], $0x2000  }
0x6d: {  	[sflag:s4] =	ssyncset.done $0x0  }
0x6e: {  	[sflag:s4] =	ssyncadd.s32 $0xFFFFE000  }
0x6f: {  	[tilespmem:s8], [sflag:$0x1] =	stream.indirect.gather [spmem:s1], $0x40, s17, s9, $0xb8;
	[tilespmem:$0x5000] =	vst v63  }
0x70: {  	_ =	swait.ge [sflag:s7], $0x2000  }
0x71: {  	[sflag:s7] =	ssyncset.done $0x0  }
0x72: {  	s0 =	rddreg [dreg:$0xe];
	[sflag:s7] =	ssyncadd.s32 $0xFFFFE000  }
0x73: {  	[hbm4b:s0+s2] =	stream.linear.scatter [tilespmem:s8], [sflag:$0x3], $0x2000, $0x38;
	[tilespmem:$0x5000] =	vst v63  }
0x74: {  	_ =	swait.ge [sflag:s5], $0x2000  }
0x75: {  	[sflag:s5] =	ssyncset.done $0x0  }
0x76: {  	[sflag:s5] =	ssyncadd.s32 $0xFFFFE000  }
0x77: {  	[tilespmem:s10], [sflag:$0x1] =	stream.indirect.gather [spmem:s1], $0x40, s16, s9, $0xb8;
	[tilespmem:$0x5000] =	vst v63  }
0x78: {  	_ =	swait.ge [sflag:s7], $0x2000  }
0x79: {  	[sflag:s7] =	ssyncset.done $0x0  }
0x7a: {  	s0 =	rddreg [dreg:$0xf];
	[sflag:s7] =	ssyncadd.s32 $0xFFFFE000  }
0x7b: {  	[hbm4b:s0+s2] =	stream.linear.scatter [tilespmem:s10], [sflag:$0x2], $0x2000, $0x38;
	[tilespmem:$0x5000] =	vst v63  }
0x7c: {  	_ =	swait.ge [sflag:s4], $0x2000  }
0x7d: {  	[sflag:s4] =	ssyncset.done $0x0  }
0x7e: {  	[sflag:s4] =	ssyncadd.s32 $0xFFFFE000  }
0x7f: {  	[tilespmem:s8], [sflag:$0x1] =	stream.indirect.gather [spmem:s1], $0x40, s15, s9, $0xb8;
	[tilespmem:$0x5000] =	vst v63  }
0x80: {  	_ =	swait.ge [sflag:s7], $0x2000  }
0x81: {  	[sflag:s7] =	ssyncset.done $0x0  }
0x82: {  	s0 =	rddreg [dreg:$0x10];
	[sflag:s7] =	ssyncadd.s32 $0xFFFFE000  }
0x83: {  	[hbm4b:s0+s2] =	stream.linear.scatter [tilespmem:s8], [sflag:$0x3], $0x2000, $0x38;
	[tilespmem:$0x5000] =	vst v63  }
0x84: {  	_ =	swait.ge [sflag:s5], $0x2000  }
0x85: {  	[sflag:s5] =	ssyncset.done $0x0  }
0x86: {  	[sflag:s5] =	ssyncadd.s32 $0xFFFFE000  }
0x87: {  	[tilespmem:s10], [sflag:$0x1] =	stream.indirect.gather [spmem:s1], $0x40, s14, s9, $0xb8;
	[tilespmem:$0x5000] =	vst v63  }
0x88: {  	_ =	swait.ge [sflag:s7], $0x2000  }
0x89: {  	[sflag:s7] =	ssyncset.done $0x0  }
0x8a: {  	s0 =	rddreg [dreg:$0x11];
	[sflag:s7] =	ssyncadd.s32 $0xFFFFE000  }
0x8b: {  	[hbm4b:s0+s2] =	stream.linear.scatter [tilespmem:s10], [sflag:$0x2], $0x2000, $0x38;
	[tilespmem:$0x5000] =	vst v63  }
0x8c: {  	_ =	swait.ge [sflag:s4], $0x2000  }
0x8d: {  	[sflag:s4] =	ssyncset.done $0x0  }
0x8e: {  	[sflag:s4] =	ssyncadd.s32 $0xFFFFE000  }
0x8f: {  	[tilespmem:s8], [sflag:$0x1] =	stream.indirect.gather [spmem:s1], $0x40, s13, s9, $0xb8;
	[tilespmem:$0x5000] =	vst v63  }
0x90: {  	_ =	swait.ge [sflag:s7], $0x2000  }
0x91: {  	[sflag:s7] =	ssyncset.done $0x0  }
0x92: {  	s0 =	rddreg [dreg:$0x12];
	[sflag:s7] =	ssyncadd.s32 $0xFFFFE000  }
0x93: {  	[hbm4b:s0+s2] =	stream.linear.scatter [tilespmem:s8], [sflag:$0x3], $0x2000, $0x38;
	[tilespmem:$0x5000] =	vst v63  }
0x94: {  	_ =	swait.ge [sflag:s5], $0x2000  }
0x95: {  	[sflag:s5] =	ssyncset.done $0x0  }
0x96: {  	[sflag:s5] =	ssyncadd.s32 $0xFFFFE000  }
0x97: {  	[tilespmem:s10], [sflag:$0x1] =	stream.indirect.gather [spmem:s1], $0x40, s12, s9, $0xb8;
	[tilespmem:$0x5000] =	vst v63  }
0x98: {  	_ =	swait.ge [sflag:s7], $0x2000  }
0x99: {  	[sflag:s7] =	ssyncset.done $0x0  }
0x9a: {  	[sflag:s7] =	ssyncadd.s32 $0xFFFFE000  }
0x9b: {  	[hbm4b:s6+s2] =	stream.linear.scatter [tilespmem:s10], [sflag:$0x2], $0x2000, $0x38;
	[tilespmem:$0x5000] =	vst v63  }
0x9c: {  	_ =	swait.ge [sflag:s4], $0x2000  }
0x9d: {  	[sflag:s4] =	ssyncset.done $0x0  }
0x9e: {  	[sflag:s4] =	ssyncadd.s32 $0xFFFFE000  }
0x9f: {  	[tilespmem:s8], [sflag:$0x1] =	stream.indirect.gather [spmem:s1], $0x40, s11, s9, $0xb8;
	[tilespmem:$0x5000] =	vst v63  }
0xa0: {  	_ =	swait.ge [sflag:s7], $0x2000  }
0xa1: {  	s31 =	sadd.s32 $0xFFFFFFFF, s31;
	[sflag:s7] =	ssyncset.done $0x0  }
0xa2: {  	p2 =	sne.s32 s31, $0x0;
	[sflag:s7] =	ssyncadd.s32 $0xFFFFE000  }
0xa3: {  	[hbm4b:s3+s2] =	stream.linear.scatter [tilespmem:s8], [sflag:$0x3], $0x2000, $0x38;
	[tilespmem:$0x5000] =	vst v63  }
.Ltmp1:
0xa4: {  	_ =	swait.ge [sflag:s5], $0x2000;
	(pc) =	sbr.rel @!p2 .LBB2_2-.Ltmp1, $4  }
0xa5: {  	[sflag:s5] =	ssyncset.done $0x0  }
0xa6: {  	[sflag:s5] =	ssyncadd.s32 $0xFFFFE000  }
0xa7: {  	_ =	swait.ge [sflag:s4], $0x2000  }
0xa8: {  	p1 =	por $0x1, $0x1;
	s0 =	rddreg [dreg:$0x4];
	[sflag:s4] =	ssyncset.done $0x0  }
.LBB2_3:
0xa9: {  	[sflag:s4] =	ssyncadd.s32 $0xFFFFE000  }
0xaa: {  	[spmem:s28], [sflag:s29] =	dma.local @!p0 [hbm:s0], $0x1000  }
0xab: {  	_ =	swait.ge @!p0 [sflag:s30], $0x1000  }
0xac: {  	[sflag:s30] =	ssyncset.done @!p0 $0x0  }
0xad: {  	[sflag:s30] =	ssyncadd.s32 @!p0 $0xFFFFF000  }
0xae: {  	[bflag:$0x0] =	sbarrier.arrive $0xFFFF  }
0xaf: {  	s0 =	rddreg [dreg:$0x5]  }
0xb0: {  	[tilespmem:s2], [sflag:$0x4] =	stream.linear.gather [hbm4b:s0+s2], $0x800, $0x38;
	[tilespmem:$0x5000] =	vst v63  }
0xb1: {  	_ =	swait.ge [sflag:s26], $0x800  }
0xb2: {  	[sflag:s26] =	ssyncset.done $0x0  }
0xb3: {  	[sflag:s26] =	ssyncadd.s32 $0xFFFFF800  }
0xb4: {  	[tilespmem:s10], [sflag:$0x1] =	stream.indirect.gather [spmem:s1], $0x40, s2, s9, $0xb8;
	[tilespmem:$0x5000] =	vst v63  }
0xb5: {  	_ =	swait.ge [sflag:s7], $0x2000  }
0xb6: {  	[sflag:s7] =	ssyncset.done $0x0  }
0xb7: {  	[sflag:s7] =	ssyncadd.s32 $0xFFFFE000  }
0xb8: {  	[hbm4b:s20+s2] =	stream.linear.scatter [tilespmem:s10], [sflag:$0x2], $0x2000, $0x38;
	[tilespmem:$0x5000] =	vst v63  }
0xb9: {  	_ = 	snop  }
0xba: {  	[tilespmem:s8], [sflag:$0x1] =	stream.indirect.gather [spmem:s1], $0x40, s9, s9, $0xb8;
	[tilespmem:$0x5000] =	vst v63  }
0xbb: {  	_ =	swait.ge [sflag:s7], $0x2000  }
0xbc: {  	[sflag:s7] =	ssyncset.done $0x0  }
0xbd: {  	s0 =	rddreg [dreg:$0x6];
	[sflag:s7] =	ssyncadd.s32 $0xFFFFE000  }
0xbe: {  	[hbm4b:s0+s2] =	stream.linear.scatter [tilespmem:s8], [sflag:$0x3], $0x2000, $0x38;
	[tilespmem:$0x5000] =	vst v63  }
0xbf: {  	_ =	swait.ge [sflag:s5], $0x2000  }
0xc0: {  	[sflag:s5] =	ssyncset.done $0x0  }
0xc1: {  	[sflag:s5] =	ssyncadd.s32 $0xFFFFE000  }
0xc2: {  	[tilespmem:s10], [sflag:$0x1] =	stream.indirect.gather [spmem:s1], $0x40, s25, s9, $0xb8;
	[tilespmem:$0x5000] =	vst v63  }
0xc3: {  	_ =	swait.ge [sflag:s7], $0x2000  }
0xc4: {  	[sflag:s7] =	ssyncset.done $0x0  }
0xc5: {  	s0 =	rddreg [dreg:$0x7];
	[sflag:s7] =	ssyncadd.s32 $0xFFFFE000  }
0xc6: {  	[hbm4b:s0+s2] =	stream.linear.scatter [tilespmem:s10], [sflag:$0x2], $0x2000, $0x38;
	[tilespmem:$0x5000] =	vst v63  }
0xc7: {  	_ =	swait.ge [sflag:s4], $0x2000  }
0xc8: {  	[sflag:s4] =	ssyncset.done $0x0  }
0xc9: {  	[sflag:s4] =	ssyncadd.s32 $0xFFFFE000  }
0xca: {  	[tilespmem:s8], [sflag:$0x1] =	stream.indirect.gather [spmem:s1], $0x40, s24, s9, $0xb8;
	[tilespmem:$0x5000] =	vst v63  }
0xcb: {  	_ =	swait.ge [sflag:s7], $0x2000  }
0xcc: {  	[sflag:s7] =	ssyncset.done $0x0  }
0xcd: {  	s0 =	rddreg [dreg:$0x8];
	[sflag:s7] =	ssyncadd.s32 $0xFFFFE000  }
0xce: {  	[hbm4b:s0+s2] =	stream.linear.scatter [tilespmem:s8], [sflag:$0x3], $0x2000, $0x38;
	[tilespmem:$0x5000] =	vst v63  }
0xcf: {  	_ =	swait.ge [sflag:s5], $0x2000  }
0xd0: {  	[sflag:s5] =	ssyncset.done $0x0  }
0xd1: {  	[sflag:s5] =	ssyncadd.s32 $0xFFFFE000  }
0xd2: {  	[tilespmem:s10], [sflag:$0x1] =	stream.indirect.gather [spmem:s1], $0x40, s23, s9, $0xb8;
	[tilespmem:$0x5000] =	vst v63  }
0xd3: {  	_ =	swait.ge [sflag:s7], $0x2000  }
0xd4: {  	[sflag:s7] =	ssyncset.done $0x0  }
0xd5: {  	s0 =	rddreg [dreg:$0x9];
	[sflag:s7] =	ssyncadd.s32 $0xFFFFE000  }
0xd6: {  	[hbm4b:s0+s2] =	stream.linear.scatter [tilespmem:s10], [sflag:$0x2], $0x2000, $0x38;
	[tilespmem:$0x5000] =	vst v63  }
0xd7: {  	_ =	swait.ge [sflag:s4], $0x2000  }
0xd8: {  	[sflag:s4] =	ssyncset.done $0x0  }
0xd9: {  	[sflag:s4] =	ssyncadd.s32 $0xFFFFE000  }
0xda: {  	[tilespmem:s8], [sflag:$0x1] =	stream.indirect.gather [spmem:s1], $0x40, s22, s9, $0xb8;
	[tilespmem:$0x5000] =	vst v63  }
0xdb: {  	_ =	swait.ge [sflag:s7], $0x2000  }
0xdc: {  	[sflag:s7] =	ssyncset.done $0x0  }
0xdd: {  	s0 =	rddreg [dreg:$0xa];
	[sflag:s7] =	ssyncadd.s32 $0xFFFFE000  }
0xde: {  	[hbm4b:s0+s2] =	stream.linear.scatter [tilespmem:s8], [sflag:$0x3], $0x2000, $0x38;
	[tilespmem:$0x5000] =	vst v63  }
0xdf: {  	_ =	swait.ge [sflag:s5], $0x2000  }
0xe0: {  	[sflag:s5] =	ssyncset.done $0x0  }
0xe1: {  	[sflag:s5] =	ssyncadd.s32 $0xFFFFE000  }
0xe2: {  	[tilespmem:s10], [sflag:$0x1] =	stream.indirect.gather [spmem:s1], $0x40, s21, s9, $0xb8;
	[tilespmem:$0x5000] =	vst v63  }
0xe3: {  	_ =	swait.ge [sflag:s7], $0x2000  }
0xe4: {  	[sflag:s7] =	ssyncset.done $0x0  }
0xe5: {  	s0 =	rddreg [dreg:$0xb];
	[sflag:s7] =	ssyncadd.s32 $0xFFFFE000  }
0xe6: {  	[hbm4b:s0+s2] =	stream.linear.scatter [tilespmem:s10], [sflag:$0x2], $0x2000, $0x38;
	[tilespmem:$0x5000] =	vst v63  }
0xe7: {  	_ =	swait.ge [sflag:s4], $0x2000  }
0xe8: {  	[sflag:s4] =	ssyncset.done $0x0  }
0xe9: {  	[sflag:s4] =	ssyncadd.s32 $0xFFFFE000  }
0xea: {  	[tilespmem:s8], [sflag:$0x1] =	stream.indirect.gather [spmem:s1], $0x40, s19, s9, $0xb8;
	[tilespmem:$0x5000] =	vst v63  }
0xeb: {  	_ =	swait.ge [sflag:s7], $0x2000  }
0xec: {  	[sflag:s7] =	ssyncset.done $0x0  }
0xed: {  	s0 =	rddreg [dreg:$0xc];
	[sflag:s7] =	ssyncadd.s32 $0xFFFFE000  }
0xee: {  	[hbm4b:s0+s2] =	stream.linear.scatter [tilespmem:s8], [sflag:$0x3], $0x2000, $0x38;
	[tilespmem:$0x5000] =	vst v63  }
0xef: {  	_ =	swait.ge [sflag:s5], $0x2000  }
0xf0: {  	[sflag:s5] =	ssyncset.done $0x0  }
0xf1: {  	[sflag:s5] =	ssyncadd.s32 $0xFFFFE000  }
0xf2: {  	[tilespmem:s10], [sflag:$0x1] =	stream.indirect.gather [spmem:s1], $0x40, s18, s9, $0xb8;
	[tilespmem:$0x5000] =	vst v63  }
0xf3: {  	_ =	swait.ge [sflag:s7], $0x2000  }
0xf4: {  	[sflag:s7] =	ssyncset.done $0x0  }
0xf5: {  	s0 =	rddreg [dreg:$0xd];
	[sflag:s7] =	ssyncadd.s32 $0xFFFFE000  }
0xf6: {  	[hbm4b:s0+s2] =	stream.linear.scatter [tilespmem:s10], [sflag:$0x2], $0x2000, $0x38;
	[tilespmem:$0x5000] =	vst v63  }
0xf7: {  	_ =	swait.ge [sflag:s4], $0x2000  }
0xf8: {  	[sflag:s4] =	ssyncset.done $0x0  }
0xf9: {  	[sflag:s4] =	ssyncadd.s32 $0xFFFFE000  }
0xfa: {  	[tilespmem:s8], [sflag:$0x1] =	stream.indirect.gather [spmem:s1], $0x40, s17, s9, $0xb8;
	[tilespmem:$0x5000] =	vst v63  }
0xfb: {  	_ =	swait.ge [sflag:s7], $0x2000  }
0xfc: {  	[sflag:s7] =	ssyncset.done $0x0  }
0xfd: {  	s0 =	rddreg [dreg:$0xe];
	[sflag:s7] =	ssyncadd.s32 $0xFFFFE000  }
0xfe: {  	[hbm4b:s0+s2] =	stream.linear.scatter [tilespmem:s8], [sflag:$0x3], $0x2000, $0x38;
	[tilespmem:$0x5000] =	vst v63  }
0xff: {  	_ =	swait.ge [sflag:s5], $0x2000  }
0x100: {  	[sflag:s5] =	ssyncset.done $0x0  }
0x101: {  	[sflag:s5] =	ssyncadd.s32 $0xFFFFE000  }
0x102: {  	[tilespmem:s10], [sflag:$0x1] =	stream.indirect.gather [spmem:s1], $0x40, s16, s9, $0xb8;
	[tilespmem:$0x5000] =	vst v63  }
0x103: {  	_ =	swait.ge [sflag:s7], $0x2000  }
0x104: {  	[sflag:s7] =	ssyncset.done $0x0  }
0x105: {  	s0 =	rddreg [dreg:$0xf];
	[sflag:s7] =	ssyncadd.s32 $0xFFFFE000  }
0x106: {  	[hbm4b:s0+s2] =	stream.linear.scatter [tilespmem:s10], [sflag:$0x2], $0x2000, $0x38;
	[tilespmem:$0x5000] =	vst v63  }
0x107: {  	_ =	swait.ge [sflag:s4], $0x2000  }
0x108: {  	[sflag:s4] =	ssyncset.done $0x0  }
0x109: {  	[sflag:s4] =	ssyncadd.s32 $0xFFFFE000  }
0x10a: {  	[tilespmem:s8], [sflag:$0x1] =	stream.indirect.gather [spmem:s1], $0x40, s15, s9, $0xb8;
	[tilespmem:$0x5000] =	vst v63  }
0x10b: {  	_ =	swait.ge [sflag:s7], $0x2000  }
0x10c: {  	[sflag:s7] =	ssyncset.done $0x0  }
0x10d: {  	s0 =	rddreg [dreg:$0x10];
	[sflag:s7] =	ssyncadd.s32 $0xFFFFE000  }
0x10e: {  	[hbm4b:s0+s2] =	stream.linear.scatter [tilespmem:s8], [sflag:$0x3], $0x2000, $0x38;
	[tilespmem:$0x5000] =	vst v63  }
0x10f: {  	_ =	swait.ge [sflag:s5], $0x2000  }
0x110: {  	[sflag:s5] =	ssyncset.done $0x0  }
0x111: {  	[sflag:s5] =	ssyncadd.s32 $0xFFFFE000  }
0x112: {  	[tilespmem:s10], [sflag:$0x1] =	stream.indirect.gather [spmem:s1], $0x40, s14, s9, $0xb8;
	[tilespmem:$0x5000] =	vst v63  }
0x113: {  	_ =	swait.ge [sflag:s7], $0x2000  }
0x114: {  	[sflag:s7] =	ssyncset.done $0x0  }
0x115: {  	s0 =	rddreg [dreg:$0x11];
	[sflag:s7] =	ssyncadd.s32 $0xFFFFE000  }
0x116: {  	[hbm4b:s0+s2] =	stream.linear.scatter [tilespmem:s10], [sflag:$0x2], $0x2000, $0x38;
	[tilespmem:$0x5000] =	vst v63  }
0x117: {  	_ =	swait.ge [sflag:s4], $0x2000  }
0x118: {  	[sflag:s4] =	ssyncset.done $0x0  }
0x119: {  	[sflag:s4] =	ssyncadd.s32 $0xFFFFE000  }
0x11a: {  	[tilespmem:s8], [sflag:$0x1] =	stream.indirect.gather [spmem:s1], $0x40, s13, s9, $0xb8;
	[tilespmem:$0x5000] =	vst v63  }
0x11b: {  	_ =	swait.ge [sflag:s7], $0x2000  }
0x11c: {  	[sflag:s7] =	ssyncset.done $0x0  }
0x11d: {  	s0 =	rddreg [dreg:$0x12];
	[sflag:s7] =	ssyncadd.s32 $0xFFFFE000  }
0x11e: {  	[hbm4b:s0+s2] =	stream.linear.scatter [tilespmem:s8], [sflag:$0x3], $0x2000, $0x38;
	[tilespmem:$0x5000] =	vst v63  }
0x11f: {  	_ =	swait.ge [sflag:s5], $0x2000  }
0x120: {  	[sflag:s5] =	ssyncset.done $0x0  }
0x121: {  	[sflag:s5] =	ssyncadd.s32 $0xFFFFE000  }
0x122: {  	[tilespmem:s10], [sflag:$0x1] =	stream.indirect.gather [spmem:s1], $0x40, s12, s9, $0xb8;
	[tilespmem:$0x5000] =	vst v63  }
0x123: {  	_ =	swait.ge [sflag:s7], $0x2000  }
0x124: {  	[sflag:s7] =	ssyncset.done $0x0  }
0x125: {  	[sflag:s7] =	ssyncadd.s32 $0xFFFFE000  }
0x126: {  	[hbm4b:s6+s2] =	stream.linear.scatter [tilespmem:s10], [sflag:$0x2], $0x2000, $0x38;
	[tilespmem:$0x5000] =	vst v63  }
0x127: {  	_ =	swait.ge [sflag:s4], $0x2000  }
0x128: {  	[sflag:s4] =	ssyncset.done $0x0  }
0x129: {  	[sflag:s4] =	ssyncadd.s32 $0xFFFFE000  }
0x12a: {  	[tilespmem:s8], [sflag:$0x1] =	stream.indirect.gather [spmem:s1], $0x40, s11, s9, $0xb8;
	[tilespmem:$0x5000] =	vst v63  }
0x12b: {  	_ =	swait.ge [sflag:s7], $0x2000  }
0x12c: {  	s31 =	sadd.s32 $0xFFFFFFFF, s31;
	[sflag:s7] =	ssyncset.done $0x0  }
0x12d: {  	p2 =	sne.s32 s31, $0x0;
	[sflag:s7] =	ssyncadd.s32 $0xFFFFE000  }
0x12e: {  	[hbm4b:s3+s2] =	stream.linear.scatter [tilespmem:s8], [sflag:$0x3], $0x2000, $0x38;
	[tilespmem:$0x5000] =	vst v63  }
.Ltmp2:
0x12f: {  	_ =	swait.ge [sflag:s5], $0x2000;
	(pc) =	sbr.rel @p2 .LBB2_3-.Ltmp2, $4  }
0x130: {  	[sflag:s5] =	ssyncset.done $0x0  }
0x131: {  	[sflag:s5] =	ssyncadd.s32 $0xFFFFE000  }
0x132: {  	_ =	swait.ge [sflag:s4], $0x2000  }
0x133: {  	s0 =	rddreg [dreg:$0x4];
	[sflag:s4] =	ssyncset.done $0x0  }
0x134: {  	s30 =	rddreg [dreg:$0x3]  }
.LBB2_5:
0x135: {  	[sflag:s4] =	ssyncadd.s32 @p1 $0xFFFFE000;
	s29 =	simm.s32 @!p0 $0x1C04  }
0x136: {  	[spmem:s28], [sflag:s29] =	dma.local @!p0 [hbm:s0], $0x1000  }
0x137: {  	s0 =	simm.s32 @!p0 $0x4  }
0x138: {  	_ =	swait.ge @!p0 [sflag:s0], $0x1000  }
0x139: {  	[sflag:s0] =	ssyncset.done @!p0 $0x0  }
0x13a: {  	[sflag:s0] =	ssyncadd.s32 @!p0 $0xFFFFF000  }
0x13b: {  	[bflag:$0x0] =	sbarrier.arrive $0xFFFF  }
0x13c: {  	s31 =	rddreg [dreg:$0x5]  }
0x13d: {  	[tilespmem:s2], [sflag:$0x4] =	stream.linear.gather [hbm4b:s31+s2], $0x800, $0x38;
	[tilespmem:$0x5000] =	vst v63  }
0x13e: {  	_ =	swait.ge [sflag:s26], $0x800  }
0x13f: {  	[sflag:s26] =	ssyncset.done $0x0  }
0x140: {  	[sflag:s26] =	ssyncadd.s32 $0xFFFFF800  }
0x141: {  	[tilespmem:s10], [sflag:$0x1] =	stream.indirect.gather [spmem:s1], $0x40, s2, s9, $0xb8;
	[tilespmem:$0x5000] =	vst v63  }
0x142: {  	_ =	swait.ge [sflag:s7], $0x2000  }
0x143: {  	[sflag:s7] =	ssyncset.done $0x0  }
0x144: {  	[sflag:s7] =	ssyncadd.s32 $0xFFFFE000  }
0x145: {  	[hbm4b:s20+s2] =	stream.linear.scatter [tilespmem:s10], [sflag:$0x2], $0x2000, $0x38;
	[tilespmem:$0x5000] =	vst v63  }
0x146: {  	_ = 	snop  }
0x147: {  	[tilespmem:s8], [sflag:$0x1] =	stream.indirect.gather [spmem:s1], $0x40, s9, s9, $0xb8;
	[tilespmem:$0x5000] =	vst v63  }
0x148: {  	_ =	swait.ge [sflag:s7], $0x2000  }
0x149: {  	[sflag:s7] =	ssyncset.done $0x0  }
0x14a: {  	s26 =	rddreg [dreg:$0x6];
	[sflag:s7] =	ssyncadd.s32 $0xFFFFE000  }
0x14b: {  	[hbm4b:s26+s2] =	stream.linear.scatter [tilespmem:s8], [sflag:$0x3], $0x2000, $0x38;
	[tilespmem:$0x5000] =	vst v63  }
0x14c: {  	_ =	swait.ge [sflag:s5], $0x2000  }
0x14d: {  	[sflag:s5] =	ssyncset.done $0x0  }
0x14e: {  	[sflag:s5] =	ssyncadd.s32 $0xFFFFE000  }
0x14f: {  	[tilespmem:s10], [sflag:$0x1] =	stream.indirect.gather [spmem:s1], $0x40, s25, s9, $0xb8;
	[tilespmem:$0x5000] =	vst v63  }
0x150: {  	_ =	swait.ge [sflag:s7], $0x2000  }
0x151: {  	[sflag:s7] =	ssyncset.done $0x0  }
0x152: {  	s28 =	rddreg [dreg:$0x7];
	[sflag:s7] =	ssyncadd.s32 $0xFFFFE000  }
0x153: {  	[hbm4b:s28+s2] =	stream.linear.scatter [tilespmem:s10], [sflag:$0x2], $0x2000, $0x38;
	[tilespmem:$0x5000] =	vst v63  }
0x154: {  	_ =	swait.ge [sflag:s4], $0x2000  }
0x155: {  	[sflag:s4] =	ssyncset.done $0x0  }
0x156: {  	[sflag:s4] =	ssyncadd.s32 $0xFFFFE000  }
0x157: {  	[tilespmem:s8], [sflag:$0x1] =	stream.indirect.gather [spmem:s1], $0x40, s24, s9, $0xb8;
	[tilespmem:$0x5000] =	vst v63  }
0x158: {  	_ =	swait.ge [sflag:s7], $0x2000  }
0x159: {  	[sflag:s7] =	ssyncset.done $0x0  }
0x15a: {  	s29 =	rddreg [dreg:$0x8];
	[sflag:s7] =	ssyncadd.s32 $0xFFFFE000  }
0x15b: {  	[hbm4b:s29+s2] =	stream.linear.scatter [tilespmem:s8], [sflag:$0x3], $0x2000, $0x38;
	[tilespmem:$0x5000] =	vst v63  }
0x15c: {  	_ =	swait.ge [sflag:s5], $0x2000  }
0x15d: {  	[sflag:s5] =	ssyncset.done $0x0  }
0x15e: {  	[sflag:s5] =	ssyncadd.s32 $0xFFFFE000  }
0x15f: {  	[tilespmem:s10], [sflag:$0x1] =	stream.indirect.gather [spmem:s1], $0x40, s23, s9, $0xb8;
	[tilespmem:$0x5000] =	vst v63  }
0x160: {  	_ =	swait.ge [sflag:s7], $0x2000  }
0x161: {  	[sflag:s7] =	ssyncset.done $0x0  }
0x162: {  	s31 =	rddreg [dreg:$0x9];
	[sflag:s7] =	ssyncadd.s32 $0xFFFFE000  }
0x163: {  	[hbm4b:s31+s2] =	stream.linear.scatter [tilespmem:s10], [sflag:$0x2], $0x2000, $0x38;
	[tilespmem:$0x5000] =	vst v63  }
0x164: {  	_ =	swait.ge [sflag:s4], $0x2000  }
0x165: {  	[sflag:s4] =	ssyncset.done $0x0  }
0x166: {  	[sflag:s4] =	ssyncadd.s32 $0xFFFFE000  }
0x167: {  	[tilespmem:s8], [sflag:$0x1] =	stream.indirect.gather [spmem:s1], $0x40, s22, s9, $0xb8;
	[tilespmem:$0x5000] =	vst v63  }
0x168: {  	_ =	swait.ge [sflag:s7], $0x2000  }
0x169: {  	[sflag:s7] =	ssyncset.done $0x0  }
0x16a: {  	s20 =	rddreg [dreg:$0xa];
	[sflag:s7] =	ssyncadd.s32 $0xFFFFE000  }
0x16b: {  	[hbm4b:s20+s2] =	stream.linear.scatter [tilespmem:s8], [sflag:$0x3], $0x2000, $0x38;
	[tilespmem:$0x5000] =	vst v63  }
0x16c: {  	_ =	swait.ge [sflag:s5], $0x2000  }
0x16d: {  	[sflag:s5] =	ssyncset.done $0x0  }
0x16e: {  	[sflag:s5] =	ssyncadd.s32 $0xFFFFE000  }
0x16f: {  	[tilespmem:s10], [sflag:$0x1] =	stream.indirect.gather [spmem:s1], $0x40, s21, s9, $0xb8;
	[tilespmem:$0x5000] =	vst v63  }
0x170: {  	_ =	swait.ge [sflag:s7], $0x2000  }
0x171: {  	[sflag:s7] =	ssyncset.done $0x0  }
0x172: {  	s22 =	rddreg [dreg:$0xb];
	[sflag:s7] =	ssyncadd.s32 $0xFFFFE000  }
0x173: {  	[hbm4b:s22+s2] =	stream.linear.scatter [tilespmem:s10], [sflag:$0x2], $0x2000, $0x38;
	[tilespmem:$0x5000] =	vst v63  }
0x174: {  	_ =	swait.ge [sflag:s4], $0x2000  }
0x175: {  	[sflag:s4] =	ssyncset.done $0x0  }
0x176: {  	[sflag:s4] =	ssyncadd.s32 $0xFFFFE000  }
0x177: {  	[tilespmem:s8], [sflag:$0x1] =	stream.indirect.gather [spmem:s1], $0x40, s19, s9, $0xb8;
	[tilespmem:$0x5000] =	vst v63  }
0x178: {  	_ =	swait.ge [sflag:s7], $0x2000  }
0x179: {  	[sflag:s7] =	ssyncset.done $0x0  }
0x17a: {  	s23 =	rddreg [dreg:$0xc];
	[sflag:s7] =	ssyncadd.s32 $0xFFFFE000  }
0x17b: {  	[hbm4b:s23+s2] =	stream.linear.scatter [tilespmem:s8], [sflag:$0x3], $0x2000, $0x38;
	[tilespmem:$0x5000] =	vst v63  }
0x17c: {  	_ =	swait.ge [sflag:s5], $0x2000  }
0x17d: {  	[sflag:s5] =	ssyncset.done $0x0  }
0x17e: {  	[sflag:s5] =	ssyncadd.s32 $0xFFFFE000  }
0x17f: {  	[tilespmem:s10], [sflag:$0x1] =	stream.indirect.gather [spmem:s1], $0x40, s18, s9, $0xb8;
	[tilespmem:$0x5000] =	vst v63  }
0x180: {  	_ =	swait.ge [sflag:s7], $0x2000  }
0x181: {  	[sflag:s7] =	ssyncset.done $0x0  }
0x182: {  	s24 =	rddreg [dreg:$0xd];
	[sflag:s7] =	ssyncadd.s32 $0xFFFFE000  }
0x183: {  	[hbm4b:s24+s2] =	stream.linear.scatter [tilespmem:s10], [sflag:$0x2], $0x2000, $0x38;
	[tilespmem:$0x5000] =	vst v63  }
0x184: {  	_ =	swait.ge [sflag:s4], $0x2000  }
0x185: {  	[sflag:s4] =	ssyncset.done $0x0  }
0x186: {  	[sflag:s4] =	ssyncadd.s32 $0xFFFFE000  }
0x187: {  	[tilespmem:s8], [sflag:$0x1] =	stream.indirect.gather [spmem:s1], $0x40, s17, s9, $0xb8;
	[tilespmem:$0x5000] =	vst v63  }
0x188: {  	_ =	swait.ge [sflag:s7], $0x2000  }
0x189: {  	[sflag:s7] =	ssyncset.done $0x0  }
0x18a: {  	s25 =	rddreg [dreg:$0xe];
	[sflag:s7] =	ssyncadd.s32 $0xFFFFE000  }
0x18b: {  	[hbm4b:s25+s2] =	stream.linear.scatter [tilespmem:s8], [sflag:$0x3], $0x2000, $0x38;
	[tilespmem:$0x5000] =	vst v63  }
0x18c: {  	_ =	swait.ge [sflag:s5], $0x2000  }
0x18d: {  	[sflag:s5] =	ssyncset.done $0x0  }
0x18e: {  	[sflag:s5] =	ssyncadd.s32 $0xFFFFE000  }
0x18f: {  	[tilespmem:s10], [sflag:$0x1] =	stream.indirect.gather [spmem:s1], $0x40, s16, s9, $0xb8;
	[tilespmem:$0x5000] =	vst v63  }
0x190: {  	_ =	swait.ge [sflag:s7], $0x2000  }
0x191: {  	[sflag:s7] =	ssyncset.done $0x0  }
0x192: {  	s26 =	rddreg [dreg:$0xf];
	[sflag:s7] =	ssyncadd.s32 $0xFFFFE000  }
0x193: {  	[hbm4b:s26+s2] =	stream.linear.scatter [tilespmem:s10], [sflag:$0x2], $0x2000, $0x38;
	[tilespmem:$0x5000] =	vst v63  }
0x194: {  	_ =	swait.ge [sflag:s4], $0x2000  }
0x195: {  	[sflag:s4] =	ssyncset.done $0x0  }
0x196: {  	[sflag:s4] =	ssyncadd.s32 $0xFFFFE000  }
0x197: {  	[tilespmem:s8], [sflag:$0x1] =	stream.indirect.gather [spmem:s1], $0x40, s15, s9, $0xb8;
	[tilespmem:$0x5000] =	vst v63  }
0x198: {  	_ =	swait.ge [sflag:s7], $0x2000  }
0x199: {  	[sflag:s7] =	ssyncset.done $0x0  }
0x19a: {  	s28 =	rddreg [dreg:$0x10];
	[sflag:s7] =	ssyncadd.s32 $0xFFFFE000  }
0x19b: {  	[hbm4b:s28+s2] =	stream.linear.scatter [tilespmem:s8], [sflag:$0x3], $0x2000, $0x38;
	[tilespmem:$0x5000] =	vst v63  }
0x19c: {  	_ =	swait.ge [sflag:s5], $0x2000  }
0x19d: {  	[sflag:s5] =	ssyncset.done $0x0  }
0x19e: {  	[sflag:s5] =	ssyncadd.s32 $0xFFFFE000  }
0x19f: {  	[tilespmem:s10], [sflag:$0x1] =	stream.indirect.gather [spmem:s1], $0x40, s14, s9, $0xb8;
	[tilespmem:$0x5000] =	vst v63  }
0x1a0: {  	_ =	swait.ge [sflag:s7], $0x2000  }
0x1a1: {  	[sflag:s7] =	ssyncset.done $0x0  }
0x1a2: {  	s29 =	rddreg [dreg:$0x11];
	[sflag:s7] =	ssyncadd.s32 $0xFFFFE000  }
0x1a3: {  	[hbm4b:s29+s2] =	stream.linear.scatter [tilespmem:s10], [sflag:$0x2], $0x2000, $0x38;
	[tilespmem:$0x5000] =	vst v63  }
0x1a4: {  	_ =	swait.ge [sflag:s4], $0x2000  }
0x1a5: {  	[sflag:s4] =	ssyncset.done $0x0  }
0x1a6: {  	[sflag:s4] =	ssyncadd.s32 $0xFFFFE000  }
0x1a7: {  	[tilespmem:s8], [sflag:$0x1] =	stream.indirect.gather [spmem:s1], $0x40, s13, s9, $0xb8;
	[tilespmem:$0x5000] =	vst v63  }
0x1a8: {  	_ =	swait.ge [sflag:s7], $0x2000  }
0x1a9: {  	[sflag:s7] =	ssyncset.done $0x0  }
0x1aa: {  	s31 =	rddreg [dreg:$0x12];
	[sflag:s7] =	ssyncadd.s32 $0xFFFFE000  }
0x1ab: {  	[hbm4b:s31+s2] =	stream.linear.scatter [tilespmem:s8], [sflag:$0x3], $0x2000, $0x38;
	[tilespmem:$0x5000] =	vst v63  }
0x1ac: {  	_ =	swait.ge [sflag:s5], $0x2000  }
0x1ad: {  	[sflag:s5] =	ssyncset.done $0x0  }
0x1ae: {  	[sflag:s5] =	ssyncadd.s32 $0xFFFFE000  }
0x1af: {  	[tilespmem:s10], [sflag:$0x1] =	stream.indirect.gather [spmem:s1], $0x40, s12, s9, $0xb8;
	[tilespmem:$0x5000] =	vst v63  }
0x1b0: {  	_ =	swait.ge [sflag:s7], $0x2000  }
0x1b1: {  	[sflag:s7] =	ssyncset.done $0x0  }
0x1b2: {  	[sflag:s7] =	ssyncadd.s32 $0xFFFFE000  }
0x1b3: {  	[hbm4b:s6+s2] =	stream.linear.scatter [tilespmem:s10], [sflag:$0x2], $0x2000, $0x38;
	[tilespmem:$0x5000] =	vst v63  }
0x1b4: {  	_ =	swait.ge [sflag:s4], $0x2000  }
0x1b5: {  	[sflag:s4] =	ssyncset.done $0x0  }
0x1b6: {  	[sflag:s4] =	ssyncadd.s32 $0xFFFFE000  }
0x1b7: {  	[tilespmem:s8], [sflag:$0x1] =	stream.indirect.gather [spmem:s1], $0x40, s11, s9, $0xb8;
	[tilespmem:$0x5000] =	vst v63  }
0x1b8: {  	_ =	swait.ge [sflag:s7], $0x2000  }
0x1b9: {  	[sflag:s7] =	ssyncset.done $0x0  }
0x1ba: {  	[sflag:s7] =	ssyncadd.s32 $0xFFFFE000  }
0x1bb: {  	[hbm4b:s3+s2] =	stream.linear.scatter [tilespmem:s8], [sflag:$0x3], $0x2000, $0x38;
	[tilespmem:$0x5000] =	vst v63  }
0x1bc: {  	_ =	swait.ge [sflag:s5], $0x2000  }
0x1bd: {  	[sflag:s5] =	ssyncset.done $0x0  }
0x1be: {  	[sflag:s5] =	ssyncadd.s32 $0xFFFFE000  }
0x1bf: {  	_ =	swait.ge [sflag:s4], $0x2000  }
0x1c0: {  	[sflag:s4] =	ssyncset.done $0x0  }
0x1c1: {  	[sflag:s4] =	ssyncadd.s32 $0xFFFFE000  }
0x1c2: {  	_ =	sfence.sel $0x180000  }
0x1c3: {  	[bflag:$0x0] =	sbarrier.arrive $0xFFFF  }
0x1c4: {  	_ =	strace $0x90000047  }
0x1c5: {  	s0 =	sadd.s32 @!p0 $0x100000, s30;
	[bflag:$0x2] =	sbarrier.arrive $0xFFFF  }
0x1c6: {  	[sflag:s0] =	ssyncadd.tile.s32 @!p0 $0x1;
	_ =	shalt  }
.LBB2_2:
.Ltmp3:
0x1c7: {  	(pc) =	sbr.rel .LBB2_5-.Ltmp3, $2  }
0x1c8: {  	_ =	sdelay $0x2  }
0x1c9: {  	s30 =	rddreg [dreg:$0x3]  }
.Lfunc_end2:
_tile_overlayer_lowered:
.L_overlay_start_2:
0x1ca: {  	(tag) =	ssettag $0x2  }
0x1cb: {  	s0 =	rddreg [dreg:$0x0];
	s2 =	stileid.u32  }
0x1cc: {  	s1 =	rddreg [dreg:$0x1];
	p0 =	sne.s32 s2, $0x0  }
0x1cd: {  	s3 =	rddreg [dreg:$0x2];
	[bflag:$0x3] =	sbarrier.arrive $0xFFFF;
	s2 =	simm.s32 @!p0 $0x1C04  }
0x1ce: {  	[timem:s3], [sflag:s2] =	dma.local @!p0 [hbm:s0], s1  }
0x1cf: {  	s0 =	simm.s32 @!p0 $0x4  }
0x1d0: {  	_ =	swait.ge @!p0 [sflag:s0], s1  }
0x1d1: {  	s1 =	ssub.s32 @!p0 $0x0, s1;
	[sflag:s0] =	ssyncset.done @!p0 $0x0  }
0x1d2: {  	[sflag:s0] =	ssyncadd.s32 @!p0 s1  }
0x1d3: {  	[bflag:$0x3] =	sbarrier.arrive $0xFFFF  }
0x1d4: {  	_ =	shalt  }

</sc_bundles>
